<compile_context>
chip_gen: v7x
topology: tpu7x:2x2x1
jax: 0.10.2.dev20260603
libtpu: 0.0.44.dev20260713+nightly
codegen_flags: <defaults>
</compile_context>

<pallas_src>
import functools

import jax
import jax.numpy as jnp
from jax import lax
from jax.experimental import pallas as pl
from jax.experimental.pallas import tpu as pltpu
from jax.experimental.pallas import tpu_sc as plsc

B, L, V, D = 1024, 200, 1000000, 64
NROWS = B * L
NW = 32
RW = NROWS // NW
CHUNK = 320
SUB = 64
NSUB = CHUNK // SUB
NCHUNK = RW // CHUNK

H = 524288
NPAIR = 8192
NREP = H // NPAIR


def _tc_repack(table_t, eye64):
    def body(xl_ref, xr_ref, eye_ref, o_ref):
        del eye_ref
        xcat = jnp.concatenate([xl_ref[...], xr_ref[...]], axis=0)
        o_ref[...] = jnp.transpose(xcat, (1, 0))

    return pl.pallas_call(
        body,
        grid=(NREP,),
        in_specs=[
            pl.BlockSpec((D, NPAIR), lambda i: (0, i)),
            pl.BlockSpec((D, NPAIR), lambda i: (0, jnp.minimum(i + NREP, V // NPAIR))),
            pl.BlockSpec((D, D), lambda i: (0, 0)),
        ],
        out_specs=pl.BlockSpec((NPAIR, 128), lambda i: (i, 0)),
        out_shape=jax.ShapeDtypeStruct((H, 128), jnp.float32),
    )(table_t, table_t, eye64)


def _sc_gather_pairs(idx2, table2):
    mesh = plsc.VectorSubcoreMesh(core_axis_name="c", subcore_axis_name="s")

    @functools.partial(
        pl.kernel,
        out_type=jax.ShapeDtypeStruct((NROWS, 128), jnp.float32),
        mesh=mesh,
        scratch_types=[
            pltpu.VMEM((RW,), jnp.int32),
            pltpu.VMEM((2, CHUNK, 128), jnp.float32),
            pltpu.SemaphoreType.DMA,
            pltpu.SemaphoreType.DMA,
            pltpu.SemaphoreType.DMA,
        ],
    )
    def gather_kernel(idx_hbm, table_hbm, out_hbm, idx_v, rows_v,
                      gsem0, gsem1, ssem):
        wid = lax.axis_index("s") * 2 + lax.axis_index("c")
        base = wid * RW
        pltpu.sync_copy(idx_hbm.at[pl.ds(base, RW)], idx_v)
        gsems = (gsem0, gsem1)

        def fire(slot, g, sem):
            cps = []
            for j in range(NSUB):
                cps.append(
                    pltpu.async_copy(
                        table_hbm.at[idx_v.at[pl.ds(g * CHUNK + j * SUB, SUB)]],
                        rows_v.at[slot].at[pl.ds(j * SUB, SUB)],
                        sem,
                    )
                )
            return cps

        def drain(cps):
            for cp in cps:
                cp.wait()

        cps0 = fire(0, 0, gsem0)

        def pair_body(h, carry):
            a = 2 * h
            b = a + 1
            for j in range(NSUB):
                pltpu.make_async_copy(
                    table_hbm.at[idx_v.at[pl.ds(a * CHUNK + j * SUB, SUB)]],
                    rows_v.at[0].at[pl.ds(j * SUB, SUB)],
                    gsem0,
                ).wait()
            cb = fire(1, b, gsem1)
            st_a = pltpu.async_copy(
                rows_v.at[0], out_hbm.at[pl.ds(base + a * CHUNK, CHUNK)], ssem)
            drain(cb)
            st_a.wait()

            @pl.when(h + 1 < NCHUNK // 2)
            def _():
                fire(0, a + 2, gsem0)

            st_b = pltpu.async_copy(
                rows_v.at[1], out_hbm.at[pl.ds(base + b * CHUNK, CHUNK)], ssem)
            st_b.wait()
            return carry

        lax.fori_loop(0, NCHUNK // 2, pair_body, 0)

    return gather_kernel(idx2, table2)


LB = 8


def _tc_out1t(g128, par3, ph_t, pos_t, unit_embed, eyelr):
    def body(g_ref, par_ref, ph_ref, pos_ref, ue_ref, eye_ref, out_ref):
        g3 = g_ref[...].reshape(LB, B, 128)
        pm = par_ref[...]
        ue = ue_ref[...]
        el = eye_ref[0]
        er = eye_ref[1]
        for j in range(LB):
            gl = lax.dot_general(
                el, g3[j], (((1,), (1,)), ((), ())),
                preferred_element_type=jnp.float32)
            gr = lax.dot_general(
                er, g3[j], (((1,), (1,)), ((), ())),
                preferred_element_type=jnp.float32)
            half = gl + pm[j] * (gr - gl)
            unit = lax.dot_general(
                ue, ph_ref[:, j, :],
                (((0,), (0,)), ((), ())),
                preferred_element_type=jnp.float32,
            )
            out_ref[j] = half + unit + pos_ref[0, :, j][:, None]

    return pl.pallas_call(
        body,
        grid=(L // LB,),
        in_specs=[
            pl.BlockSpec((LB * B, 128), lambda i: (i, 0)),
            pl.BlockSpec((LB, 1, B), lambda i: (i, 0, 0)),
            pl.BlockSpec((7, LB, B), lambda i: (0, i, 0)),
            pl.BlockSpec((1, D, LB), lambda i: (i, 0, 0)),
            pl.BlockSpec((7, D), lambda i: (0, 0)),
            pl.BlockSpec((2, D, 128), lambda i: (0, 0, 0)),
        ],
        out_specs=pl.BlockSpec((LB, D, B), lambda i: (i, 0, 0)),
        out_shape=jax.ShapeDtypeStruct((L, D, B), jnp.float32),
    )(g128, par3, ph_t, pos_t, unit_embed, eyelr)


LB2 = 8


def _tc_out2t(meta_t, pad_t, case_embed):
    def body(meta_ref, pad_ref, case_ref, out_ref):
        mt = meta_ref[...]
        case = case_ref[...]
        for j in range(LB2):
            rhs = mt * pad_ref[0, :, j][:, None]
            out_ref[j] = lax.dot_general(
                case, rhs,
                (((0,), (0,)), ((), ())),
                preferred_element_type=jnp.float32,
            )

    return pl.pallas_call(
        body,
        grid=(L // LB2,),
        in_specs=[
            pl.BlockSpec((D, B), lambda i: (0, 0)),
            pl.BlockSpec((1, D, LB2), lambda i: (i, 0, 0)),
            pl.BlockSpec((D, D), lambda i: (0, 0)),
        ],
        out_specs=pl.BlockSpec((LB2, D, B), lambda i: (i, 0, 0)),
        out_shape=jax.ShapeDtypeStruct((L, D, B), jnp.float32),
    )(meta_t, pad_t, case_embed)


def kernel(sequence, meta_info, ph_dimensions, token_table, pos_table,
           case_embed, unit_embed, padding):
    table_t = jnp.transpose(token_table, (1, 0))
    eye64 = jnp.eye(D, dtype=jnp.float32)
    table2 = _tc_repack(table_t, eye64)

    seq_t = jnp.transpose(sequence, (1, 0))
    idx_t = seq_t.reshape(NROWS).astype(jnp.int32)
    high = idx_t >= H
    idx2 = jnp.where(high, idx_t - H, idx_t)
    par3 = high.astype(jnp.float32).reshape(L, 1, B)
    eyelr = jnp.stack([jnp.eye(D, 128, dtype=jnp.float32),
                       jnp.eye(D, 128, k=D, dtype=jnp.float32)])

    g128 = _sc_gather_pairs(idx2, table2)

    ph_t = jnp.transpose(ph_dimensions.astype(jnp.float32), (2, 1, 0))
    pos_t = jnp.transpose(pos_table, (1, 0))
    pos_r = jnp.transpose(pos_t.reshape(D, L // LB, LB), (1, 0, 2))
    out1t = _tc_out1t(g128, par3, ph_t, pos_r, unit_embed, eyelr)

    meta_t = jnp.transpose(meta_info, (1, 0))
    pad_t = jnp.transpose(padding, (1, 0))
    pad_r = jnp.transpose(pad_t.reshape(D, L // LB2, LB2), (1, 0, 2))
    out2t = _tc_out2t(meta_t, pad_r, case_embed)

    out1 = jnp.transpose(out1t, (2, 0, 1))
    out2 = jnp.transpose(out2t, (2, 0, 1))
    return (out1, out2)

# --- scband reference (transcript-rebuilt; emitter-appended) ---
"""Pipeline reference for scband-token-and-position-embedding-8083128451076 (READ-ONLY COPY).

The authoritative reference and input builder live on the scoring server;
editing this copy changes nothing except your own understanding.
"""

import jax, jax.numpy as jnp
import numpy as np

B, L, V, D = 1024, 200, 1000000, 64

def setup_inputs(seed: int = 0) -> dict:
    key = jax.random.key(seed)
    ks = jax.random.split(key, 7)
    sequence = jax.random.randint(ks[0], (B, L), 0, V, dtype=jnp.int64)
    meta_info = jax.random.normal(ks[1], (B, D), dtype=jnp.float32)
    ph_dimensions = jax.random.normal(ks[2], (B, L, 7), dtype=jnp.float32)
    token_table = jax.random.normal(ks[3], (V, D), dtype=jnp.float32) * 0.02
    pos_table = jax.random.normal(ks[4], (L, D), dtype=jnp.float32) * 0.02
    case_embed = jax.random.normal(ks[5], (D, D), dtype=jnp.float32) * 0.05
    unit_embed = jax.random.normal(ks[6], (7, D), dtype=jnp.float32) * 0.05
    padding = jnp.ones((L, D), dtype=jnp.float32)
    return {"sequence": sequence, "meta_info": meta_info, "ph_dimensions": ph_dimensions,
            "token_table": token_table, "pos_table": pos_table, "case_embed": case_embed,
            "unit_embed": unit_embed, "padding": padding}

def reference(sequence, meta_info, ph_dimensions, token_table, pos_table, case_embed, unit_embed, padding):
    seq_len = sequence.shape[1]
    position_indices = jnp.arange(seq_len)
    pos_encoding = jnp.take(pos_table, position_indices, axis=0)  # [L, D]
    unit = jnp.einsum('kij,jl->kil', ph_dimensions.astype(jnp.float32), unit_embed)  # [B, L, D]
    meta = jnp.matmul(meta_info[:, None, :] * padding, case_embed)  # [B, maxlen, D]
    seq = jnp.take(token_table, sequence, axis=0) + pos_encoding  # [B, L, D]
    return (seq + unit, meta)

if __name__ == "__main__":
    import jax
    _d = setup_inputs()
    print(jax.jit(kernel)(*tuple(_d.values())))

</pallas_src>

<mosaic_0001>
#map = affine_map<(d0, d1) -> (0)>
#map1 = affine_map<(d0, d1) -> (0, 0)>
module attributes {stable_mosaic.version = 14 : i64} {
  func.func @gather_kernel(%arg0: i32, %arg1: i32, %arg2: memref<204800xi32, #tpu.memory_space<hbm>>, %arg3: memref<524288x128xf32, #tpu.memory_space<hbm>>, %arg4: memref<204800x128xf32, #tpu.memory_space<hbm>>, %arg5: memref<6400xi32, #tpu.memory_space<vmem>>, %arg6: memref<2x320x128xf32, #tpu.memory_space<vmem>>, %arg7: memref<!tpu.dma_semaphore, #tpu.memory_space<semaphore_mem>>, %arg8: memref<!tpu.dma_semaphore, #tpu.memory_space<semaphore_mem>>, %arg9: memref<!tpu.dma_semaphore, #tpu.memory_space<semaphore_mem>>) attributes {dimension_semantics = [#tpu.dimension_semantics<core_parallel>, #tpu.dimension_semantics<subcore_parallel>], iteration_bounds = array<i64: 2, 16>, scalar_prefetch = 0 : i64, scratch_operands = 5 : i64, tpu.core_type = #tpu.core_type<sc_vector_subcore>, window_params = [{transform_indices = #map}, {transform_indices = #map1}, {transform_indices = #map1}]} {
    %mul3A = arith.constant 2 : i32
    %mul3A_0 = arith.muli %arg1, %mul3A : i32
    %add3A = arith.addi %mul3A_0, %arg0 : i32
    %mul3A_1 = arith.constant 6400 : i32
    %mul3A_2 = arith.muli %add3A, %mul3A_1 : i32
    "tpu.region"() ({
      %run_scoped3A = tpu.sem_alloc : memref<!tpu.dma_semaphore, #tpu.memory_space<semaphore_mem>>
      %dma_start3A_72 = tpu.memref_slice %arg2[%mul3A_2] : memref<204800xi32, #tpu.memory_space<hbm>> -> memref<6400xi32, #tpu.memory_space<hbm>>
      %dma_start3A_73 = tpu.memref_slice %arg2[%mul3A_2] : memref<204800xi32, #tpu.memory_space<hbm>> -> memref<6400xi32, #tpu.memory_space<hbm>>
      tpu.enqueue_dma source(%dma_start3A_73 : memref<6400xi32, #tpu.memory_space<hbm>>) target(%arg5 : memref<6400xi32, #tpu.memory_space<vmem>>) target_semaphore(%run_scoped3A : memref<!tpu.dma_semaphore, #tpu.memory_space<semaphore_mem>>)
      %dma_wait3A = tpu.memref_slice %arg2[%mul3A_2] : memref<204800xi32, #tpu.memory_space<hbm>> -> memref<6400xi32, #tpu.memory_space<hbm>>
      %dma_wait3A_74 = tpu.memref_slice %arg2[%mul3A_2] : memref<204800xi32, #tpu.memory_space<hbm>> -> memref<6400xi32, #tpu.memory_space<hbm>>
      tpu.wait_dma2 semaphore(%run_scoped3A : memref<!tpu.dma_semaphore, #tpu.memory_space<semaphore_mem>>) src(%dma_wait3A_74 : memref<6400xi32, #tpu.memory_space<hbm>>) dst(%arg5 : memref<6400xi32, #tpu.memory_space<vmem>>)
      tpu.yield
    }) : () -> ()
    %dma_start3A = arith.constant 0 : i32
    %dma_start3A_3 = arith.constant 0 : i32
    %dma_start3A_4 = arith.constant 0 : i32
    %dma_start3A_5 = tpu.memref_slice %arg6[%dma_start3A, %dma_start3A_3, %dma_start3A_4] : memref<2x320x128xf32, #tpu.memory_space<vmem>> -> memref<1x320x128xf32, #tpu.memory_space<vmem>>
    %dma_start3A_6 = tpu.memref_squeeze %dma_start3A_5 : memref<1x320x128xf32, #tpu.memory_space<vmem>> -> memref<320x128xf32, #tpu.memory_space<vmem>>
    %dma_start3A_7 = arith.constant 0 : i32
    %dma_start3A_8 = arith.constant 0 : i32
    %dma_start3A_9 = tpu.memref_slice %dma_start3A_6[%dma_start3A_7, %dma_start3A_8] : memref<320x128xf32, #tpu.memory_space<vmem>> -> memref<64x128xf32, #tpu.memory_space<vmem>>
    %dma_start3A_10 = arith.constant 0 : i32
    %dma_start3A_11 = tpu.memref_slice %arg5[%dma_start3A_10] : memref<6400xi32, #tpu.memory_space<vmem>> -> memref<64xi32, #tpu.memory_space<vmem>>
    %dma_start3A_12 = arith.constant 0 : i32
    %dma_start3A_13 = arith.constant 0 : i32
    %dma_start3A_14 = tpu.memref_slice %arg3[%dma_start3A_12, %dma_start3A_13] : memref<524288x128xf32, #tpu.memory_space<hbm>> -> memref<524288x128xf32, #tpu.memory_space<hbm>>
    tpu.enqueue_indirect_dma source(%dma_start3A_14 : memref<524288x128xf32, #tpu.memory_space<hbm>>) target(%dma_start3A_9 : memref<64x128xf32, #tpu.memory_space<vmem>>) offsets(%dma_start3A_11 : memref<64xi32, #tpu.memory_space<vmem>>) semaphore(%arg7 : memref<!tpu.dma_semaphore, #tpu.memory_space<semaphore_mem>>)
    %dma_start3A_15 = arith.constant 0 : i32
    %dma_start3A_16 = arith.constant 0 : i32
    %dma_start3A_17 = arith.constant 0 : i32
    %dma_start3A_18 = tpu.memref_slice %arg6[%dma_start3A_15, %dma_start3A_16, %dma_start3A_17] : memref<2x320x128xf32, #tpu.memory_space<vmem>> -> memref<1x320x128xf32, #tpu.memory_space<vmem>>
    %dma_start3A_19 = tpu.memref_squeeze %dma_start3A_18 : memref<1x320x128xf32, #tpu.memory_space<vmem>> -> memref<320x128xf32, #tpu.memory_space<vmem>>
    %dma_start3A_20 = arith.constant 64 : i32
    %dma_start3A_21 = arith.constant 0 : i32
    %dma_start3A_22 = tpu.memref_slice %dma_start3A_19[%dma_start3A_20, %dma_start3A_21] : memref<320x128xf32, #tpu.memory_space<vmem>> -> memref<64x128xf32, #tpu.memory_space<vmem>>
    %dma_start3A_23 = arith.constant 64 : i32
    %dma_start3A_24 = tpu.memref_slice %arg5[%dma_start3A_23] : memref<6400xi32, #tpu.memory_space<vmem>> -> memref<64xi32, #tpu.memory_space<vmem>>
    %dma_start3A_25 = arith.constant 0 : i32
    %dma_start3A_26 = arith.constant 0 : i32
    %dma_start3A_27 = tpu.memref_slice %arg3[%dma_start3A_25, %dma_start3A_26] : memref<524288x128xf32, #tpu.memory_space<hbm>> -> memref<524288x128xf32, #tpu.memory_space<hbm>>
    tpu.enqueue_indirect_dma source(%dma_start3A_27 : memref<524288x128xf32, #tpu.memory_space<hbm>>) target(%dma_start3A_22 : memref<64x128xf32, #tpu.memory_space<vmem>>) offsets(%dma_start3A_24 : memref<64xi32, #tpu.memory_space<vmem>>) semaphore(%arg7 : memref<!tpu.dma_semaphore, #tpu.memory_space<semaphore_mem>>)
    %dma_start3A_28 = arith.constant 0 : i32
    %dma_start3A_29 = arith.constant 0 : i32
    %dma_start3A_30 = arith.constant 0 : i32
    %dma_start3A_31 = tpu.memref_slice %arg6[%dma_start3A_28, %dma_start3A_29, %dma_start3A_30] : memref<2x320x128xf32, #tpu.memory_space<vmem>> -> memref<1x320x128xf32, #tpu.memory_space<vmem>>
    %dma_start3A_32 = tpu.memref_squeeze %dma_start3A_31 : memref<1x320x128xf32, #tpu.memory_space<vmem>> -> memref<320x128xf32, #tpu.memory_space<vmem>>
    %dma_start3A_33 = arith.constant 128 : i32
    %dma_start3A_34 = arith.constant 0 : i32
    %dma_start3A_35 = tpu.memref_slice %dma_start3A_32[%dma_start3A_33, %dma_start3A_34] : memref<320x128xf32, #tpu.memory_space<vmem>> -> memref<64x128xf32, #tpu.memory_space<vmem>>
    %dma_start3A_36 = arith.constant 128 : i32
    %dma_start3A_37 = tpu.memref_slice %arg5[%dma_start3A_36] : memref<6400xi32, #tpu.memory_space<vmem>> -> memref<64xi32, #tpu.memory_space<vmem>>
    %dma_start3A_38 = arith.constant 0 : i32
    %dma_start3A_39 = arith.constant 0 : i32
    %dma_start3A_40 = tpu.memref_slice %arg3[%dma_start3A_38, %dma_start3A_39] : memref<524288x128xf32, #tpu.memory_space<hbm>> -> memref<524288x128xf32, #tpu.memory_space<hbm>>
    tpu.enqueue_indirect_dma source(%dma_start3A_40 : memref<524288x128xf32, #tpu.memory_space<hbm>>) target(%dma_start3A_35 : memref<64x128xf32, #tpu.memory_space<vmem>>) offsets(%dma_start3A_37 : memref<64xi32, #tpu.memory_space<vmem>>) semaphore(%arg7 : memref<!tpu.dma_semaphore, #tpu.memory_space<semaphore_mem>>)
    %dma_start3A_41 = arith.constant 0 : i32
    %dma_start3A_42 = arith.constant 0 : i32
    %dma_start3A_43 = arith.constant 0 : i32
    %dma_start3A_44 = tpu.memref_slice %arg6[%dma_start3A_41, %dma_start3A_42, %dma_start3A_43] : memref<2x320x128xf32, #tpu.memory_space<vmem>> -> memref<1x320x128xf32, #tpu.memory_space<vmem>>
    %dma_start3A_45 = tpu.memref_squeeze %dma_start3A_44 : memref<1x320x128xf32, #tpu.memory_space<vmem>> -> memref<320x128xf32, #tpu.memory_space<vmem>>
    %dma_start3A_46 = arith.constant 192 : i32
    %dma_start3A_47 = arith.constant 0 : i32
    %dma_start3A_48 = tpu.memref_slice %dma_start3A_45[%dma_start3A_46, %dma_start3A_47] : memref<320x128xf32, #tpu.memory_space<vmem>> -> memref<64x128xf32, #tpu.memory_space<vmem>>
    %dma_start3A_49 = arith.constant 192 : i32
    %dma_start3A_50 = tpu.memref_slice %arg5[%dma_start3A_49] : memref<6400xi32, #tpu.memory_space<vmem>> -> memref<64xi32, #tpu.memory_space<vmem>>
    %dma_start3A_51 = arith.constant 0 : i32
    %dma_start3A_52 = arith.constant 0 : i32
    %dma_start3A_53 = tpu.memref_slice %arg3[%dma_start3A_51, %dma_start3A_52] : memref<524288x128xf32, #tpu.memory_space<hbm>> -> memref<524288x128xf32, #tpu.memory_space<hbm>>
    tpu.enqueue_indirect_dma source(%dma_start3A_53 : memref<524288x128xf32, #tpu.memory_space<hbm>>) target(%dma_start3A_48 : memref<64x128xf32, #tpu.memory_space<vmem>>) offsets(%dma_start3A_50 : memref<64xi32, #tpu.memory_space<vmem>>) semaphore(%arg7 : memref<!tpu.dma_semaphore, #tpu.memory_space<semaphore_mem>>)
    %dma_start3A_54 = arith.constant 0 : i32
    %dma_start3A_55 = arith.constant 0 : i32
    %dma_start3A_56 = arith.constant 0 : i32
    %dma_start3A_57 = tpu.memref_slice %arg6[%dma_start3A_54, %dma_start3A_55, %dma_start3A_56] : memref<2x320x128xf32, #tpu.memory_space<vmem>> -> memref<1x320x128xf32, #tpu.memory_space<vmem>>
    %dma_start3A_58 = tpu.memref_squeeze %dma_start3A_57 : memref<1x320x128xf32, #tpu.memory_space<vmem>> -> memref<320x128xf32, #tpu.memory_space<vmem>>
    %dma_start3A_59 = arith.constant 256 : i32
    %dma_start3A_60 = arith.constant 0 : i32
    %dma_start3A_61 = tpu.memref_slice %dma_start3A_58[%dma_start3A_59, %dma_start3A_60] : memref<320x128xf32, #tpu.memory_space<vmem>> -> memref<64x128xf32, #tpu.memory_space<vmem>>
    %dma_start3A_62 = arith.constant 256 : i32
    %dma_start3A_63 = tpu.memref_slice %arg5[%dma_start3A_62] : memref<6400xi32, #tpu.memory_space<vmem>> -> memref<64xi32, #tpu.memory_space<vmem>>
    %dma_start3A_64 = arith.constant 0 : i32
    %dma_start3A_65 = arith.constant 0 : i32
    %dma_start3A_66 = tpu.memref_slice %arg3[%dma_start3A_64, %dma_start3A_65] : memref<524288x128xf32, #tpu.memory_space<hbm>> -> memref<524288x128xf32, #tpu.memory_space<hbm>>
    tpu.enqueue_indirect_dma source(%dma_start3A_66 : memref<524288x128xf32, #tpu.memory_space<hbm>>) target(%dma_start3A_61 : memref<64x128xf32, #tpu.memory_space<vmem>>) offsets(%dma_start3A_63 : memref<64xi32, #tpu.memory_space<vmem>>) semaphore(%arg7 : memref<!tpu.dma_semaphore, #tpu.memory_space<semaphore_mem>>)
    %scan3A = arith.constant 0 : i32
    %scan3A_67 = arith.constant 0 : i32
    %scan3A_68 = arith.constant 10 : i32
    %scan3A_69 = arith.addi %scan3A_67, %scan3A_68 : i32
    %scan3A_70 = arith.constant 1 : i32
    scf.for %scan3A_72 = %scan3A_67 to %scan3A_69 step %scan3A_70  : i32 {
      %mul3A_73 = arith.constant 2 : i32
      %mul3A_74 = arith.muli %mul3A_73, %scan3A_72 : i32
      %add3A_75 = arith.constant 1 : i32
      %add3A_76 = arith.addi %mul3A_74, %add3A_75 : i32
      %mul3A_77 = arith.constant 320 : i32
      %mul3A_78 = arith.muli %mul3A_74, %mul3A_77 : i32
      %add3A_79 = arith.constant 0 : i32
      %add3A_80 = arith.addi %mul3A_78, %add3A_79 : i32
      %dma_wait3A = arith.constant 0 : i32
      %dma_wait3A_81 = arith.constant 0 : i32
      %dma_wait3A_82 = arith.constant 0 : i32
      %dma_wait3A_83 = tpu.memref_slice %arg6[%dma_wait3A, %dma_wait3A_81, %dma_wait3A_82] : memref<2x320x128xf32, #tpu.memory_space<vmem>> -> memref<1x320x128xf32, #tpu.memory_space<vmem>>
      %dma_wait3A_84 = tpu.memref_squeeze %dma_wait3A_83 : memref<1x320x128xf32, #tpu.memory_space<vmem>> -> memref<320x128xf32, #tpu.memory_space<vmem>>
      %dma_wait3A_85 = arith.constant 0 : i32
      %dma_wait3A_86 = arith.constant 0 : i32
      %dma_wait3A_87 = tpu.memref_slice %dma_wait3A_84[%dma_wait3A_85, %dma_wait3A_86] : memref<320x128xf32, #tpu.memory_space<vmem>> -> memref<64x128xf32, #tpu.memory_space<vmem>>
      %dma_wait3A_88 = tpu.memref_slice %arg5[%add3A_80] : memref<6400xi32, #tpu.memory_space<vmem>> -> memref<64xi32, #tpu.memory_space<vmem>>
      %dma_wait3A_89 = arith.constant 0 : i32
      %dma_wait3A_90 = arith.constant 0 : i32
      %dma_wait3A_91 = tpu.memref_slice %arg3[%dma_wait3A_89, %dma_wait3A_90] : memref<524288x128xf32, #tpu.memory_space<hbm>> -> memref<524288x128xf32, #tpu.memory_space<hbm>>
      tpu.wait_indirect_dma semaphore(%arg7 : memref<!tpu.dma_semaphore, #tpu.memory_space<semaphore_mem>>) src(%dma_wait3A_91 : memref<524288x128xf32, #tpu.memory_space<hbm>>) dst(%dma_wait3A_87 : memref<64x128xf32, #tpu.memory_space<vmem>>)
      %mul3A_92 = arith.constant 320 : i32
      %mul3A_93 = arith.muli %mul3A_74, %mul3A_92 : i32
      %add3A_94 = arith.constant 64 : i32
      %add3A_95 = arith.addi %mul3A_93, %add3A_94 : i32
      %dma_wait3A_96 = arith.constant 0 : i32
      %dma_wait3A_97 = arith.constant 0 : i32
      %dma_wait3A_98 = arith.constant 0 : i32
      %dma_wait3A_99 = tpu.memref_slice %arg6[%dma_wait3A_96, %dma_wait3A_97, %dma_wait3A_98] : memref<2x320x128xf32, #tpu.memory_space<vmem>> -> memref<1x320x128xf32, #tpu.memory_space<vmem>>
      %dma_wait3A_100 = tpu.memref_squeeze %dma_wait3A_99 : memref<1x320x128xf32, #tpu.memory_space<vmem>> -> memref<320x128xf32, #tpu.memory_space<vmem>>
      %dma_wait3A_101 = arith.constant 64 : i32
      %dma_wait3A_102 = arith.constant 0 : i32
      %dma_wait3A_103 = tpu.memref_slice %dma_wait3A_100[%dma_wait3A_101, %dma_wait3A_102] : memref<320x128xf32, #tpu.memory_space<vmem>> -> memref<64x128xf32, #tpu.memory_space<vmem>>
      %dma_wait3A_104 = tpu.memref_slice %arg5[%add3A_95] : memref<6400xi32, #tpu.memory_space<vmem>> -> memref<64xi32, #tpu.memory_space<vmem>>
      %dma_wait3A_105 = arith.constant 0 : i32
      %dma_wait3A_106 = arith.constant 0 : i32
      %dma_wait3A_107 = tpu.memref_slice %arg3[%dma_wait3A_105, %dma_wait3A_106] : memref<524288x128xf32, #tpu.memory_space<hbm>> -> memref<524288x128xf32, #tpu.memory_space<hbm>>
      tpu.wait_indirect_dma semaphore(%arg7 : memref<!tpu.dma_semaphore, #tpu.memory_space<semaphore_mem>>) src(%dma_wait3A_107 : memref<524288x128xf32, #tpu.memory_space<hbm>>) dst(%dma_wait3A_103 : memref<64x128xf32, #tpu.memory_space<vmem>>)
      %mul3A_108 = arith.constant 320 : i32
      %mul3A_109 = arith.muli %mul3A_74, %mul3A_108 : i32
      %add3A_110 = arith.constant 128 : i32
      %add3A_111 = arith.addi %mul3A_109, %add3A_110 : i32
      %dma_wait3A_112 = arith.constant 0 : i32
      %dma_wait3A_113 = arith.constant 0 : i32
      %dma_wait3A_114 = arith.constant 0 : i32
      %dma_wait3A_115 = tpu.memref_slice %arg6[%dma_wait3A_112, %dma_wait3A_113, %dma_wait3A_114] : memref<2x320x128xf32, #tpu.memory_space<vmem>> -> memref<1x320x128xf32, #tpu.memory_space<vmem>>
      %dma_wait3A_116 = tpu.memref_squeeze %dma_wait3A_115 : memref<1x320x128xf32, #tpu.memory_space<vmem>> -> memref<320x128xf32, #tpu.memory_space<vmem>>
      %dma_wait3A_117 = arith.constant 128 : i32
      %dma_wait3A_118 = arith.constant 0 : i32
      %dma_wait3A_119 = tpu.memref_slice %dma_wait3A_116[%dma_wait3A_117, %dma_wait3A_118] : memref<320x128xf32, #tpu.memory_space<vmem>> -> memref<64x128xf32, #tpu.memory_space<vmem>>
      %dma_wait3A_120 = tpu.memref_slice %arg5[%add3A_111] : memref<6400xi32, #tpu.memory_space<vmem>> -> memref<64xi32, #tpu.memory_space<vmem>>
      %dma_wait3A_121 = arith.constant 0 : i32
      %dma_wait3A_122 = arith.constant 0 : i32
      %dma_wait3A_123 = tpu.memref_slice %arg3[%dma_wait3A_121, %dma_wait3A_122] : memref<524288x128xf32, #tpu.memory_space<hbm>> -> memref<524288x128xf32, #tpu.memory_space<hbm>>
      tpu.wait_indirect_dma semaphore(%arg7 : memref<!tpu.dma_semaphore, #tpu.memory_space<semaphore_mem>>) src(%dma_wait3A_123 : memref<524288x128xf32, #tpu.memory_space<hbm>>) dst(%dma_wait3A_119 : memref<64x128xf32, #tpu.memory_space<vmem>>)
      %mul3A_124 = arith.constant 320 : i32
      %mul3A_125 = arith.muli %mul3A_74, %mul3A_124 : i32
      %add3A_126 = arith.constant 192 : i32
      %add3A_127 = arith.addi %mul3A_125, %add3A_126 : i32
      %dma_wait3A_128 = arith.constant 0 : i32
      %dma_wait3A_129 = arith.constant 0 : i32
      %dma_wait3A_130 = arith.constant 0 : i32
      %dma_wait3A_131 = tpu.memref_slice %arg6[%dma_wait3A_128, %dma_wait3A_129, %dma_wait3A_130] : memref<2x320x128xf32, #tpu.memory_space<vmem>> -> memref<1x320x128xf32, #tpu.memory_space<vmem>>
      %dma_wait3A_132 = tpu.memref_squeeze %dma_wait3A_131 : memref<1x320x128xf32, #tpu.memory_space<vmem>> -> memref<320x128xf32, #tpu.memory_space<vmem>>
      %dma_wait3A_133 = arith.constant 192 : i32
      %dma_wait3A_134 = arith.constant 0 : i32
      %dma_wait3A_135 = tpu.memref_slice %dma_wait3A_132[%dma_wait3A_133, %dma_wait3A_134] : memref<320x128xf32, #tpu.memory_space<vmem>> -> memref<64x128xf32, #tpu.memory_space<vmem>>
      %dma_wait3A_136 = tpu.memref_slice %arg5[%add3A_127] : memref<6400xi32, #tpu.memory_space<vmem>> -> memref<64xi32, #tpu.memory_space<vmem>>
      %dma_wait3A_137 = arith.constant 0 : i32
      %dma_wait3A_138 = arith.constant 0 : i32
      %dma_wait3A_139 = tpu.memref_slice %arg3[%dma_wait3A_137, %dma_wait3A_138] : memref<524288x128xf32, #tpu.memory_space<hbm>> -> memref<524288x128xf32, #tpu.memory_space<hbm>>
      tpu.wait_indirect_dma semaphore(%arg7 : memref<!tpu.dma_semaphore, #tpu.memory_space<semaphore_mem>>) src(%dma_wait3A_139 : memref<524288x128xf32, #tpu.memory_space<hbm>>) dst(%dma_wait3A_135 : memref<64x128xf32, #tpu.memory_space<vmem>>)
      %mul3A_140 = arith.constant 320 : i32
      %mul3A_141 = arith.muli %mul3A_74, %mul3A_140 : i32
      %add3A_142 = arith.constant 256 : i32
      %add3A_143 = arith.addi %mul3A_141, %add3A_142 : i32
      %dma_wait3A_144 = arith.constant 0 : i32
      %dma_wait3A_145 = arith.constant 0 : i32
      %dma_wait3A_146 = arith.constant 0 : i32
      %dma_wait3A_147 = tpu.memref_slice %arg6[%dma_wait3A_144, %dma_wait3A_145, %dma_wait3A_146] : memref<2x320x128xf32, #tpu.memory_space<vmem>> -> memref<1x320x128xf32, #tpu.memory_space<vmem>>
      %dma_wait3A_148 = tpu.memref_squeeze %dma_wait3A_147 : memref<1x320x128xf32, #tpu.memory_space<vmem>> -> memref<320x128xf32, #tpu.memory_space<vmem>>
      %dma_wait3A_149 = arith.constant 256 : i32
      %dma_wait3A_150 = arith.constant 0 : i32
      %dma_wait3A_151 = tpu.memref_slice %dma_wait3A_148[%dma_wait3A_149, %dma_wait3A_150] : memref<320x128xf32, #tpu.memory_space<vmem>> -> memref<64x128xf32, #tpu.memory_space<vmem>>
      %dma_wait3A_152 = tpu.memref_slice %arg5[%add3A_143] : memref<6400xi32, #tpu.memory_space<vmem>> -> memref<64xi32, #tpu.memory_space<vmem>>
      %dma_wait3A_153 = arith.constant 0 : i32
      %dma_wait3A_154 = arith.constant 0 : i32
      %dma_wait3A_155 = tpu.memref_slice %arg3[%dma_wait3A_153, %dma_wait3A_154] : memref<524288x128xf32, #tpu.memory_space<hbm>> -> memref<524288x128xf32, #tpu.memory_space<hbm>>
      tpu.wait_indirect_dma semaphore(%arg7 : memref<!tpu.dma_semaphore, #tpu.memory_space<semaphore_mem>>) src(%dma_wait3A_155 : memref<524288x128xf32, #tpu.memory_space<hbm>>) dst(%dma_wait3A_151 : memref<64x128xf32, #tpu.memory_space<vmem>>)
      %mul3A_156 = arith.constant 320 : i32
      %mul3A_157 = arith.muli %add3A_76, %mul3A_156 : i32
      %add3A_158 = arith.constant 0 : i32
      %add3A_159 = arith.addi %mul3A_157, %add3A_158 : i32
      %dma_start3A_160 = arith.constant 1 : i32
      %dma_start3A_161 = arith.constant 0 : i32
      %dma_start3A_162 = arith.constant 0 : i32
      %dma_start3A_163 = tpu.memref_slice %arg6[%dma_start3A_160, %dma_start3A_161, %dma_start3A_162] : memref<2x320x128xf32, #tpu.memory_space<vmem>> -> memref<1x320x128xf32, #tpu.memory_space<vmem>>
      %dma_start3A_164 = tpu.memref_squeeze %dma_start3A_163 : memref<1x320x128xf32, #tpu.memory_space<vmem>> -> memref<320x128xf32, #tpu.memory_space<vmem>>
      %dma_start3A_165 = arith.constant 0 : i32
      %dma_start3A_166 = arith.constant 0 : i32
      %dma_start3A_167 = tpu.memref_slice %dma_start3A_164[%dma_start3A_165, %dma_start3A_166] : memref<320x128xf32, #tpu.memory_space<vmem>> -> memref<64x128xf32, #tpu.memory_space<vmem>>
      %dma_start3A_168 = tpu.memref_slice %arg5[%add3A_159] : memref<6400xi32, #tpu.memory_space<vmem>> -> memref<64xi32, #tpu.memory_space<vmem>>
      %dma_start3A_169 = arith.constant 0 : i32
      %dma_start3A_170 = arith.constant 0 : i32
      %dma_start3A_171 = tpu.memref_slice %arg3[%dma_start3A_169, %dma_start3A_170] : memref<524288x128xf32, #tpu.memory_space<hbm>> -> memref<524288x128xf32, #tpu.memory_space<hbm>>
      tpu.enqueue_indirect_dma source(%dma_start3A_171 : memref<524288x128xf32, #tpu.memory_space<hbm>>) target(%dma_start3A_167 : memref<64x128xf32, #tpu.memory_space<vmem>>) offsets(%dma_start3A_168 : memref<64xi32, #tpu.memory_space<vmem>>) semaphore(%arg8 : memref<!tpu.dma_semaphore, #tpu.memory_space<semaphore_mem>>)
      %mul3A_172 = arith.constant 320 : i32
      %mul3A_173 = arith.muli %add3A_76, %mul3A_172 : i32
      %add3A_174 = arith.constant 64 : i32
      %add3A_175 = arith.addi %mul3A_173, %add3A_174 : i32
      %dma_start3A_176 = arith.constant 1 : i32
      %dma_start3A_177 = arith.constant 0 : i32
      %dma_start3A_178 = arith.constant 0 : i32
      %dma_start3A_179 = tpu.memref_slice %arg6[%dma_start3A_176, %dma_start3A_177, %dma_start3A_178] : memref<2x320x128xf32, #tpu.memory_space<vmem>> -> memref<1x320x128xf32, #tpu.memory_space<vmem>>
      %dma_start3A_180 = tpu.memref_squeeze %dma_start3A_179 : memref<1x320x128xf32, #tpu.memory_space<vmem>> -> memref<320x128xf32, #tpu.memory_space<vmem>>
      %dma_start3A_181 = arith.constant 64 : i32
      %dma_start3A_182 = arith.constant 0 : i32
      %dma_start3A_183 = tpu.memref_slice %dma_start3A_180[%dma_start3A_181, %dma_start3A_182] : memref<320x128xf32, #tpu.memory_space<vmem>> -> memref<64x128xf32, #tpu.memory_space<vmem>>
      %dma_start3A_184 = tpu.memref_slice %arg5[%add3A_175] : memref<6400xi32, #tpu.memory_space<vmem>> -> memref<64xi32, #tpu.memory_space<vmem>>
      %dma_start3A_185 = arith.constant 0 : i32
      %dma_start3A_186 = arith.constant 0 : i32
      %dma_start3A_187 = tpu.memref_slice %arg3[%dma_start3A_185, %dma_start3A_186] : memref<524288x128xf32, #tpu.memory_space<hbm>> -> memref<524288x128xf32, #tpu.memory_space<hbm>>
      tpu.enqueue_indirect_dma source(%dma_start3A_187 : memref<524288x128xf32, #tpu.memory_space<hbm>>) target(%dma_start3A_183 : memref<64x128xf32, #tpu.memory_space<vmem>>) offsets(%dma_start3A_184 : memref<64xi32, #tpu.memory_space<vmem>>) semaphore(%arg8 : memref<!tpu.dma_semaphore, #tpu.memory_space<semaphore_mem>>)
      %mul3A_188 = arith.constant 320 : i32
      %mul3A_189 = arith.muli %add3A_76, %mul3A_188 : i32
      %add3A_190 = arith.constant 128 : i32
      %add3A_191 = arith.addi %mul3A_189, %add3A_190 : i32
      %dma_start3A_192 = arith.constant 1 : i32
      %dma_start3A_193 = arith.constant 0 : i32
      %dma_start3A_194 = arith.constant 0 : i32
      %dma_start3A_195 = tpu.memref_slice %arg6[%dma_start3A_192, %dma_start3A_193, %dma_start3A_194] : memref<2x320x128xf32, #tpu.memory_space<vmem>> -> memref<1x320x128xf32, #tpu.memory_space<vmem>>
      %dma_start3A_196 = tpu.memref_squeeze %dma_start3A_195 : memref<1x320x128xf32, #tpu.memory_space<vmem>> -> memref<320x128xf32, #tpu.memory_space<vmem>>
      %dma_start3A_197 = arith.constant 128 : i32
      %dma_start3A_198 = arith.constant 0 : i32
      %dma_start3A_199 = tpu.memref_slice %dma_start3A_196[%dma_start3A_197, %dma_start3A_198] : memref<320x128xf32, #tpu.memory_space<vmem>> -> memref<64x128xf32, #tpu.memory_space<vmem>>
      %dma_start3A_200 = tpu.memref_slice %arg5[%add3A_191] : memref<6400xi32, #tpu.memory_space<vmem>> -> memref<64xi32, #tpu.memory_space<vmem>>
      %dma_start3A_201 = arith.constant 0 : i32
      %dma_start3A_202 = arith.constant 0 : i32
      %dma_start3A_203 = tpu.memref_slice %arg3[%dma_start3A_201, %dma_start3A_202] : memref<524288x128xf32, #tpu.memory_space<hbm>> -> memref<524288x128xf32, #tpu.memory_space<hbm>>
      tpu.enqueue_indirect_dma source(%dma_start3A_203 : memref<524288x128xf32, #tpu.memory_space<hbm>>) target(%dma_start3A_199 : memref<64x128xf32, #tpu.memory_space<vmem>>) offsets(%dma_start3A_200 : memref<64xi32, #tpu.memory_space<vmem>>) semaphore(%arg8 : memref<!tpu.dma_semaphore, #tpu.memory_space<semaphore_mem>>)
      %mul3A_204 = arith.constant 320 : i32
      %mul3A_205 = arith.muli %add3A_76, %mul3A_204 : i32
      %add3A_206 = arith.constant 192 : i32
      %add3A_207 = arith.addi %mul3A_205, %add3A_206 : i32
      %dma_start3A_208 = arith.constant 1 : i32
      %dma_start3A_209 = arith.constant 0 : i32
      %dma_start3A_210 = arith.constant 0 : i32
      %dma_start3A_211 = tpu.memref_slice %arg6[%dma_start3A_208, %dma_start3A_209, %dma_start3A_210] : memref<2x320x128xf32, #tpu.memory_space<vmem>> -> memref<1x320x128xf32, #tpu.memory_space<vmem>>
      %dma_start3A_212 = tpu.memref_squeeze %dma_start3A_211 : memref<1x320x128xf32, #tpu.memory_space<vmem>> -> memref<320x128xf32, #tpu.memory_space<vmem>>
      %dma_start3A_213 = arith.constant 192 : i32
      %dma_start3A_214 = arith.constant 0 : i32
      %dma_start3A_215 = tpu.memref_slice %dma_start3A_212[%dma_start3A_213, %dma_start3A_214] : memref<320x128xf32, #tpu.memory_space<vmem>> -> memref<64x128xf32, #tpu.memory_space<vmem>>
      %dma_start3A_216 = tpu.memref_slice %arg5[%add3A_207] : memref<6400xi32, #tpu.memory_space<vmem>> -> memref<64xi32, #tpu.memory_space<vmem>>
      %dma_start3A_217 = arith.constant 0 : i32
      %dma_start3A_218 = arith.constant 0 : i32
      %dma_start3A_219 = tpu.memref_slice %arg3[%dma_start3A_217, %dma_start3A_218] : memref<524288x128xf32, #tpu.memory_space<hbm>> -> memref<524288x128xf32, #tpu.memory_space<hbm>>
      tpu.enqueue_indirect_dma source(%dma_start3A_219 : memref<524288x128xf32, #tpu.memory_space<hbm>>) target(%dma_start3A_215 : memref<64x128xf32, #tpu.memory_space<vmem>>) offsets(%dma_start3A_216 : memref<64xi32, #tpu.memory_space<vmem>>) semaphore(%arg8 : memref<!tpu.dma_semaphore, #tpu.memory_space<semaphore_mem>>)
      %mul3A_220 = arith.constant 320 : i32
      %mul3A_221 = arith.muli %add3A_76, %mul3A_220 : i32
      %add3A_222 = arith.constant 256 : i32
      %add3A_223 = arith.addi %mul3A_221, %add3A_222 : i32
      %dma_start3A_224 = arith.constant 1 : i32
      %dma_start3A_225 = arith.constant 0 : i32
      %dma_start3A_226 = arith.constant 0 : i32
      %dma_start3A_227 = tpu.memref_slice %arg6[%dma_start3A_224, %dma_start3A_225, %dma_start3A_226] : memref<2x320x128xf32, #tpu.memory_space<vmem>> -> memref<1x320x128xf32, #tpu.memory_space<vmem>>
      %dma_start3A_228 = tpu.memref_squeeze %dma_start3A_227 : memref<1x320x128xf32, #tpu.memory_space<vmem>> -> memref<320x128xf32, #tpu.memory_space<vmem>>
      %dma_start3A_229 = arith.constant 256 : i32
      %dma_start3A_230 = arith.constant 0 : i32
      %dma_start3A_231 = tpu.memref_slice %dma_start3A_228[%dma_start3A_229, %dma_start3A_230] : memref<320x128xf32, #tpu.memory_space<vmem>> -> memref<64x128xf32, #tpu.memory_space<vmem>>
      %dma_start3A_232 = tpu.memref_slice %arg5[%add3A_223] : memref<6400xi32, #tpu.memory_space<vmem>> -> memref<64xi32, #tpu.memory_space<vmem>>
      %dma_start3A_233 = arith.constant 0 : i32
      %dma_start3A_234 = arith.constant 0 : i32
      %dma_start3A_235 = tpu.memref_slice %arg3[%dma_start3A_233, %dma_start3A_234] : memref<524288x128xf32, #tpu.memory_space<hbm>> -> memref<524288x128xf32, #tpu.memory_space<hbm>>
      tpu.enqueue_indirect_dma source(%dma_start3A_235 : memref<524288x128xf32, #tpu.memory_space<hbm>>) target(%dma_start3A_231 : memref<64x128xf32, #tpu.memory_space<vmem>>) offsets(%dma_start3A_232 : memref<64xi32, #tpu.memory_space<vmem>>) semaphore(%arg8 : memref<!tpu.dma_semaphore, #tpu.memory_space<semaphore_mem>>)
      %mul3A_236 = arith.constant 320 : i32
      %mul3A_237 = arith.muli %mul3A_74, %mul3A_236 : i32
      %add3A_238 = arith.addi %mul3A_2, %mul3A_237 : i32
      %dma_start3A_239 = arith.constant 0 : i32
      %dma_start3A_240 = arith.constant 0 : i32
      %dma_start3A_241 = arith.constant 0 : i32
      %dma_start3A_242 = tpu.memref_slice %arg6[%dma_start3A_239, %dma_start3A_240, %dma_start3A_241] : memref<2x320x128xf32, #tpu.memory_space<vmem>> -> memref<1x320x128xf32, #tpu.memory_space<vmem>>
      %dma_start3A_243 = tpu.memref_squeeze %dma_start3A_242 : memref<1x320x128xf32, #tpu.memory_space<vmem>> -> memref<320x128xf32, #tpu.memory_space<vmem>>
      %dma_start3A_244 = arith.constant 0 : i32
      %dma_start3A_245 = tpu.memref_slice %arg4[%add3A_238, %dma_start3A_244] : memref<204800x128xf32, #tpu.memory_space<hbm>> -> memref<320x128xf32, #tpu.memory_space<hbm>>
      %dma_start3A_246 = arith.constant 0 : i32
      %dma_start3A_247 = tpu.memref_slice %arg4[%add3A_238, %dma_start3A_246] : memref<204800x128xf32, #tpu.memory_space<hbm>> -> memref<320x128xf32, #tpu.memory_space<hbm>>
      %dma_start3A_248 = arith.constant 0 : i32
      %dma_start3A_249 = arith.constant 0 : i32
      %dma_start3A_250 = tpu.memref_slice %arg6[%dma_start3A_239, %dma_start3A_248, %dma_start3A_249] : memref<2x320x128xf32, #tpu.memory_space<vmem>> -> memref<1x320x128xf32, #tpu.memory_space<vmem>>
      %dma_start3A_251 = tpu.memref_squeeze %dma_start3A_250 : memref<1x320x128xf32, #tpu.memory_space<vmem>> -> memref<320x128xf32, #tpu.memory_space<vmem>>
      tpu.enqueue_dma source(%dma_start3A_251 : memref<320x128xf32, #tpu.memory_space<vmem>>) target(%dma_start3A_247 : memref<320x128xf32, #tpu.memory_space<hbm>>) target_semaphore(%arg9 : memref<!tpu.dma_semaphore, #tpu.memory_space<semaphore_mem>>)
      %dma_wait3A_252 = arith.constant 1 : i32
      %dma_wait3A_253 = arith.constant 0 : i32
      %dma_wait3A_254 = arith.constant 0 : i32
      %dma_wait3A_255 = tpu.memref_slice %arg6[%dma_wait3A_252, %dma_wait3A_253, %dma_wait3A_254] : memref<2x320x128xf32, #tpu.memory_space<vmem>> -> memref<1x320x128xf32, #tpu.memory_space<vmem>>
      %dma_wait3A_256 = tpu.memref_squeeze %dma_wait3A_255 : memref<1x320x128xf32, #tpu.memory_space<vmem>> -> memref<320x128xf32, #tpu.memory_space<vmem>>
      %dma_wait3A_257 = arith.constant 0 : i32
      %dma_wait3A_258 = arith.constant 0 : i32
      %dma_wait3A_259 = tpu.memref_slice %dma_wait3A_256[%dma_wait3A_257, %dma_wait3A_258] : memref<320x128xf32, #tpu.memory_space<vmem>> -> memref<64x128xf32, #tpu.memory_space<vmem>>
      %dma_wait3A_260 = tpu.memref_slice %arg5[%add3A_159] : memref<6400xi32, #tpu.memory_space<vmem>> -> memref<64xi32, #tpu.memory_space<vmem>>
      %dma_wait3A_261 = arith.constant 0 : i32
      %dma_wait3A_262 = arith.constant 0 : i32
      %dma_wait3A_263 = tpu.memref_slice %arg3[%dma_wait3A_261, %dma_wait3A_262] : memref<524288x128xf32, #tpu.memory_space<hbm>> -> memref<524288x128xf32, #tpu.memory_space<hbm>>
      tpu.wait_indirect_dma semaphore(%arg8 : memref<!tpu.dma_semaphore, #tpu.memory_space<semaphore_mem>>) src(%dma_wait3A_263 : memref<524288x128xf32, #tpu.memory_space<hbm>>) dst(%dma_wait3A_259 : memref<64x128xf32, #tpu.memory_space<vmem>>)
      %dma_wait3A_264 = arith.constant 1 : i32
      %dma_wait3A_265 = arith.constant 0 : i32
      %dma_wait3A_266 = arith.constant 0 : i32
      %dma_wait3A_267 = tpu.memref_slice %arg6[%dma_wait3A_264, %dma_wait3A_265, %dma_wait3A_266] : memref<2x320x128xf32, #tpu.memory_space<vmem>> -> memref<1x320x128xf32, #tpu.memory_space<vmem>>
      %dma_wait3A_268 = tpu.memref_squeeze %dma_wait3A_267 : memref<1x320x128xf32, #tpu.memory_space<vmem>> -> memref<320x128xf32, #tpu.memory_space<vmem>>
      %dma_wait3A_269 = arith.constant 64 : i32
      %dma_wait3A_270 = arith.constant 0 : i32
      %dma_wait3A_271 = tpu.memref_slice %dma_wait3A_268[%dma_wait3A_269, %dma_wait3A_270] : memref<320x128xf32, #tpu.memory_space<vmem>> -> memref<64x128xf32, #tpu.memory_space<vmem>>
      %dma_wait3A_272 = tpu.memref_slice %arg5[%add3A_175] : memref<6400xi32, #tpu.memory_space<vmem>> -> memref<64xi32, #tpu.memory_space<vmem>>
      %dma_wait3A_273 = arith.constant 0 : i32
      %dma_wait3A_274 = arith.constant 0 : i32
      %dma_wait3A_275 = tpu.memref_slice %arg3[%dma_wait3A_273, %dma_wait3A_274] : memref<524288x128xf32, #tpu.memory_space<hbm>> -> memref<524288x128xf32, #tpu.memory_space<hbm>>
      tpu.wait_indirect_dma semaphore(%arg8 : memref<!tpu.dma_semaphore, #tpu.memory_space<semaphore_mem>>) src(%dma_wait3A_275 : memref<524288x128xf32, #tpu.memory_space<hbm>>) dst(%dma_wait3A_271 : memref<64x128xf32, #tpu.memory_space<vmem>>)
      %dma_wait3A_276 = arith.constant 1 : i32
      %dma_wait3A_277 = arith.constant 0 : i32
      %dma_wait3A_278 = arith.constant 0 : i32
      %dma_wait3A_279 = tpu.memref_slice %arg6[%dma_wait3A_276, %dma_wait3A_277, %dma_wait3A_278] : memref<2x320x128xf32, #tpu.memory_space<vmem>> -> memref<1x320x128xf32, #tpu.memory_space<vmem>>
      %dma_wait3A_280 = tpu.memref_squeeze %dma_wait3A_279 : memref<1x320x128xf32, #tpu.memory_space<vmem>> -> memref<320x128xf32, #tpu.memory_space<vmem>>
      %dma_wait3A_281 = arith.constant 128 : i32
      %dma_wait3A_282 = arith.constant 0 : i32
      %dma_wait3A_283 = tpu.memref_slice %dma_wait3A_280[%dma_wait3A_281, %dma_wait3A_282] : memref<320x128xf32, #tpu.memory_space<vmem>> -> memref<64x128xf32, #tpu.memory_space<vmem>>
      %dma_wait3A_284 = tpu.memref_slice %arg5[%add3A_191] : memref<6400xi32, #tpu.memory_space<vmem>> -> memref<64xi32, #tpu.memory_space<vmem>>
      %dma_wait3A_285 = arith.constant 0 : i32
      %dma_wait3A_286 = arith.constant 0 : i32
      %dma_wait3A_287 = tpu.memref_slice %arg3[%dma_wait3A_285, %dma_wait3A_286] : memref<524288x128xf32, #tpu.memory_space<hbm>> -> memref<524288x128xf32, #tpu.memory_space<hbm>>
      tpu.wait_indirect_dma semaphore(%arg8 : memref<!tpu.dma_semaphore, #tpu.memory_space<semaphore_mem>>) src(%dma_wait3A_287 : memref<524288x128xf32, #tpu.memory_space<hbm>>) dst(%dma_wait3A_283 : memref<64x128xf32, #tpu.memory_space<vmem>>)
      %dma_wait3A_288 = arith.constant 1 : i32
      %dma_wait3A_289 = arith.constant 0 : i32
      %dma_wait3A_290 = arith.constant 0 : i32
      %dma_wait3A_291 = tpu.memref_slice %arg6[%dma_wait3A_288, %dma_wait3A_289, %dma_wait3A_290] : memref<2x320x128xf32, #tpu.memory_space<vmem>> -> memref<1x320x128xf32, #tpu.memory_space<vmem>>
      %dma_wait3A_292 = tpu.memref_squeeze %dma_wait3A_291 : memref<1x320x128xf32, #tpu.memory_space<vmem>> -> memref<320x128xf32, #tpu.memory_space<vmem>>
      %dma_wait3A_293 = arith.constant 192 : i32
      %dma_wait3A_294 = arith.constant 0 : i32
      %dma_wait3A_295 = tpu.memref_slice %dma_wait3A_292[%dma_wait3A_293, %dma_wait3A_294] : memref<320x128xf32, #tpu.memory_space<vmem>> -> memref<64x128xf32, #tpu.memory_space<vmem>>
      %dma_wait3A_296 = tpu.memref_slice %arg5[%add3A_207] : memref<6400xi32, #tpu.memory_space<vmem>> -> memref<64xi32, #tpu.memory_space<vmem>>
      %dma_wait3A_297 = arith.constant 0 : i32
      %dma_wait3A_298 = arith.constant 0 : i32
      %dma_wait3A_299 = tpu.memref_slice %arg3[%dma_wait3A_297, %dma_wait3A_298] : memref<524288x128xf32, #tpu.memory_space<hbm>> -> memref<524288x128xf32, #tpu.memory_space<hbm>>
      tpu.wait_indirect_dma semaphore(%arg8 : memref<!tpu.dma_semaphore, #tpu.memory_space<semaphore_mem>>) src(%dma_wait3A_299 : memref<524288x128xf32, #tpu.memory_space<hbm>>) dst(%dma_wait3A_295 : memref<64x128xf32, #tpu.memory_space<vmem>>)
      %dma_wait3A_300 = arith.constant 1 : i32
      %dma_wait3A_301 = arith.constant 0 : i32
      %dma_wait3A_302 = arith.constant 0 : i32
      %dma_wait3A_303 = tpu.memref_slice %arg6[%dma_wait3A_300, %dma_wait3A_301, %dma_wait3A_302] : memref<2x320x128xf32, #tpu.memory_space<vmem>> -> memref<1x320x128xf32, #tpu.memory_space<vmem>>
      %dma_wait3A_304 = tpu.memref_squeeze %dma_wait3A_303 : memref<1x320x128xf32, #tpu.memory_space<vmem>> -> memref<320x128xf32, #tpu.memory_space<vmem>>
      %dma_wait3A_305 = arith.constant 256 : i32
      %dma_wait3A_306 = arith.constant 0 : i32
      %dma_wait3A_307 = tpu.memref_slice %dma_wait3A_304[%dma_wait3A_305, %dma_wait3A_306] : memref<320x128xf32, #tpu.memory_space<vmem>> -> memref<64x128xf32, #tpu.memory_space<vmem>>
      %dma_wait3A_308 = tpu.memref_slice %arg5[%add3A_223] : memref<6400xi32, #tpu.memory_space<vmem>> -> memref<64xi32, #tpu.memory_space<vmem>>
      %dma_wait3A_309 = arith.constant 0 : i32
      %dma_wait3A_310 = arith.constant 0 : i32
      %dma_wait3A_311 = tpu.memref_slice %arg3[%dma_wait3A_309, %dma_wait3A_310] : memref<524288x128xf32, #tpu.memory_space<hbm>> -> memref<524288x128xf32, #tpu.memory_space<hbm>>
      tpu.wait_indirect_dma semaphore(%arg8 : memref<!tpu.dma_semaphore, #tpu.memory_space<semaphore_mem>>) src(%dma_wait3A_311 : memref<524288x128xf32, #tpu.memory_space<hbm>>) dst(%dma_wait3A_307 : memref<64x128xf32, #tpu.memory_space<vmem>>)
      %dma_wait3A_312 = arith.constant 0 : i32
      %dma_wait3A_313 = arith.constant 0 : i32
      %dma_wait3A_314 = arith.constant 0 : i32
      %dma_wait3A_315 = tpu.memref_slice %arg6[%dma_wait3A_312, %dma_wait3A_313, %dma_wait3A_314] : memref<2x320x128xf32, #tpu.memory_space<vmem>> -> memref<1x320x128xf32, #tpu.memory_space<vmem>>
      %dma_wait3A_316 = tpu.memref_squeeze %dma_wait3A_315 : memref<1x320x128xf32, #tpu.memory_space<vmem>> -> memref<320x128xf32, #tpu.memory_space<vmem>>
      %dma_wait3A_317 = arith.constant 0 : i32
      %dma_wait3A_318 = tpu.memref_slice %arg4[%add3A_238, %dma_wait3A_317] : memref<204800x128xf32, #tpu.memory_space<hbm>> -> memref<320x128xf32, #tpu.memory_space<hbm>>
      %dma_wait3A_319 = arith.constant 0 : i32
      %dma_wait3A_320 = tpu.memref_slice %arg4[%add3A_238, %dma_wait3A_319] : memref<204800x128xf32, #tpu.memory_space<hbm>> -> memref<320x128xf32, #tpu.memory_space<hbm>>
      %dma_wait3A_321 = arith.constant 0 : i32
      %dma_wait3A_322 = arith.constant 0 : i32
      %dma_wait3A_323 = tpu.memref_slice %arg6[%dma_wait3A_312, %dma_wait3A_321, %dma_wait3A_322] : memref<2x320x128xf32, #tpu.memory_space<vmem>> -> memref<1x320x128xf32, #tpu.memory_space<vmem>>
      %dma_wait3A_324 = tpu.memref_squeeze %dma_wait3A_323 : memref<1x320x128xf32, #tpu.memory_space<vmem>> -> memref<320x128xf32, #tpu.memory_space<vmem>>
      tpu.wait_dma2 semaphore(%arg9 : memref<!tpu.dma_semaphore, #tpu.memory_space<semaphore_mem>>) src(%dma_wait3A_324 : memref<320x128xf32, #tpu.memory_space<vmem>>) dst(%dma_wait3A_320 : memref<320x128xf32, #tpu.memory_space<hbm>>)
      %add3A_325 = arith.constant 1 : i32
      %add3A_326 = arith.addi %scan3A_72, %add3A_325 : i32
      %lt3A = arith.constant 10 : i32
      %lt3A_327 = arith.cmpi slt, %add3A_326, %lt3A : i32
      %convert_element_type3A = arith.extui %lt3A_327 : i1 to i32
      %cond3A = arith.constant 0 : i32
      %cond3A_328 = arith.cmpi ne, %convert_element_type3A, %cond3A : i32
      scf.if %cond3A_328 {
        %add3A_358 = arith.constant 2 : i32
        %add3A_359 = arith.addi %mul3A_74, %add3A_358 : i32
        %mul3A_360 = arith.constant 320 : i32
        %mul3A_361 = arith.muli %add3A_359, %mul3A_360 : i32
        %add3A_362 = arith.constant 0 : i32
        %add3A_363 = arith.addi %mul3A_361, %add3A_362 : i32
        %dma_start3A_364 = arith.constant 0 : i32
        %dma_start3A_365 = arith.constant 0 : i32
        %dma_start3A_366 = arith.constant 0 : i32
        %dma_start3A_367 = tpu.memref_slice %arg6[%dma_start3A_364, %dma_start3A_365, %dma_start3A_366] : memref<2x320x128xf32, #tpu.memory_space<vmem>> -> memref<1x320x128xf32, #tpu.memory_space<vmem>>
        %dma_start3A_368 = tpu.memref_squeeze %dma_start3A_367 : memref<1x320x128xf32, #tpu.memory_space<vmem>> -> memref<320x128xf32, #tpu.memory_space<vmem>>
        %dma_start3A_369 = arith.constant 0 : i32
        %dma_start3A_370 = arith.constant 0 : i32
        %dma_start3A_371 = tpu.memref_slice %dma_start3A_368[%dma_start3A_369, %dma_start3A_370] : memref<320x128xf32, #tpu.memory_space<vmem>> -> memref<64x128xf32, #tpu.memory_space<vmem>>
        %dma_start3A_372 = tpu.memref_slice %arg5[%add3A_363] : memref<6400xi32, #tpu.memory_space<vmem>> -> memref<64xi32, #tpu.memory_space<vmem>>
        %dma_start3A_373 = arith.constant 0 : i32
        %dma_start3A_374 = arith.constant 0 : i32
        %dma_start3A_375 = tpu.memref_slice %arg3[%dma_start3A_373, %dma_start3A_374] : memref<524288x128xf32, #tpu.memory_space<hbm>> -> memref<524288x128xf32, #tpu.memory_space<hbm>>
        tpu.enqueue_indirect_dma source(%dma_start3A_375 : memref<524288x128xf32, #tpu.memory_space<hbm>>) target(%dma_start3A_371 : memref<64x128xf32, #tpu.memory_space<vmem>>) offsets(%dma_start3A_372 : memref<64xi32, #tpu.memory_space<vmem>>) semaphore(%arg7 : memref<!tpu.dma_semaphore, #tpu.memory_space<semaphore_mem>>)
        %mul3A_376 = arith.constant 320 : i32
        %mul3A_377 = arith.muli %add3A_359, %mul3A_376 : i32
        %add3A_378 = arith.constant 64 : i32
        %add3A_379 = arith.addi %mul3A_377, %add3A_378 : i32
        %dma_start3A_380 = arith.constant 0 : i32
        %dma_start3A_381 = arith.constant 0 : i32
        %dma_start3A_382 = arith.constant 0 : i32
        %dma_start3A_383 = tpu.memref_slice %arg6[%dma_start3A_380, %dma_start3A_381, %dma_start3A_382] : memref<2x320x128xf32, #tpu.memory_space<vmem>> -> memref<1x320x128xf32, #tpu.memory_space<vmem>>
        %dma_start3A_384 = tpu.memref_squeeze %dma_start3A_383 : memref<1x320x128xf32, #tpu.memory_space<vmem>> -> memref<320x128xf32, #tpu.memory_space<vmem>>
        %dma_start3A_385 = arith.constant 64 : i32
        %dma_start3A_386 = arith.constant 0 : i32
        %dma_start3A_387 = tpu.memref_slice %dma_start3A_384[%dma_start3A_385, %dma_start3A_386] : memref<320x128xf32, #tpu.memory_space<vmem>> -> memref<64x128xf32, #tpu.memory_space<vmem>>
        %dma_start3A_388 = tpu.memref_slice %arg5[%add3A_379] : memref<6400xi32, #tpu.memory_space<vmem>> -> memref<64xi32, #tpu.memory_space<vmem>>
        %dma_start3A_389 = arith.constant 0 : i32
        %dma_start3A_390 = arith.constant 0 : i32
        %dma_start3A_391 = tpu.memref_slice %arg3[%dma_start3A_389, %dma_start3A_390] : memref<524288x128xf32, #tpu.memory_space<hbm>> -> memref<524288x128xf32, #tpu.memory_space<hbm>>
        tpu.enqueue_indirect_dma source(%dma_start3A_391 : memref<524288x128xf32, #tpu.memory_space<hbm>>) target(%dma_start3A_387 : memref<64x128xf32, #tpu.memory_space<vmem>>) offsets(%dma_start3A_388 : memref<64xi32, #tpu.memory_space<vmem>>) semaphore(%arg7 : memref<!tpu.dma_semaphore, #tpu.memory_space<semaphore_mem>>)
        %mul3A_392 = arith.constant 320 : i32
        %mul3A_393 = arith.muli %add3A_359, %mul3A_392 : i32
        %add3A_394 = arith.constant 128 : i32
        %add3A_395 = arith.addi %mul3A_393, %add3A_394 : i32
        %dma_start3A_396 = arith.constant 0 : i32
        %dma_start3A_397 = arith.constant 0 : i32
        %dma_start3A_398 = arith.constant 0 : i32
        %dma_start3A_399 = tpu.memref_slice %arg6[%dma_start3A_396, %dma_start3A_397, %dma_start3A_398] : memref<2x320x128xf32, #tpu.memory_space<vmem>> -> memref<1x320x128xf32, #tpu.memory_space<vmem>>
        %dma_start3A_400 = tpu.memref_squeeze %dma_start3A_399 : memref<1x320x128xf32, #tpu.memory_space<vmem>> -> memref<320x128xf32, #tpu.memory_space<vmem>>
        %dma_start3A_401 = arith.constant 128 : i32
        %dma_start3A_402 = arith.constant 0 : i32
        %dma_start3A_403 = tpu.memref_slice %dma_start3A_400[%dma_start3A_401, %dma_start3A_402] : memref<320x128xf32, #tpu.memory_space<vmem>> -> memref<64x128xf32, #tpu.memory_space<vmem>>
        %dma_start3A_404 = tpu.memref_slice %arg5[%add3A_395] : memref<6400xi32, #tpu.memory_space<vmem>> -> memref<64xi32, #tpu.memory_space<vmem>>
        %dma_start3A_405 = arith.constant 0 : i32
        %dma_start3A_406 = arith.constant 0 : i32
        %dma_start3A_407 = tpu.memref_slice %arg3[%dma_start3A_405, %dma_start3A_406] : memref<524288x128xf32, #tpu.memory_space<hbm>> -> memref<524288x128xf32, #tpu.memory_space<hbm>>
        tpu.enqueue_indirect_dma source(%dma_start3A_407 : memref<524288x128xf32, #tpu.memory_space<hbm>>) target(%dma_start3A_403 : memref<64x128xf32, #tpu.memory_space<vmem>>) offsets(%dma_start3A_404 : memref<64xi32, #tpu.memory_space<vmem>>) semaphore(%arg7 : memref<!tpu.dma_semaphore, #tpu.memory_space<semaphore_mem>>)
        %mul3A_408 = arith.constant 320 : i32
        %mul3A_409 = arith.muli %add3A_359, %mul3A_408 : i32
        %add3A_410 = arith.constant 192 : i32
        %add3A_411 = arith.addi %mul3A_409, %add3A_410 : i32
        %dma_start3A_412 = arith.constant 0 : i32
        %dma_start3A_413 = arith.constant 0 : i32
        %dma_start3A_414 = arith.constant 0 : i32
        %dma_start3A_415 = tpu.memref_slice %arg6[%dma_start3A_412, %dma_start3A_413, %dma_start3A_414] : memref<2x320x128xf32, #tpu.memory_space<vmem>> -> memref<1x320x128xf32, #tpu.memory_space<vmem>>
        %dma_start3A_416 = tpu.memref_squeeze %dma_start3A_415 : memref<1x320x128xf32, #tpu.memory_space<vmem>> -> memref<320x128xf32, #tpu.memory_space<vmem>>
        %dma_start3A_417 = arith.constant 192 : i32
        %dma_start3A_418 = arith.constant 0 : i32
        %dma_start3A_419 = tpu.memref_slice %dma_start3A_416[%dma_start3A_417, %dma_start3A_418] : memref<320x128xf32, #tpu.memory_space<vmem>> -> memref<64x128xf32, #tpu.memory_space<vmem>>
        %dma_start3A_420 = tpu.memref_slice %arg5[%add3A_411] : memref<6400xi32, #tpu.memory_space<vmem>> -> memref<64xi32, #tpu.memory_space<vmem>>
        %dma_start3A_421 = arith.constant 0 : i32
        %dma_start3A_422 = arith.constant 0 : i32
        %dma_start3A_423 = tpu.memref_slice %arg3[%dma_start3A_421, %dma_start3A_422] : memref<524288x128xf32, #tpu.memory_space<hbm>> -> memref<524288x128xf32, #tpu.memory_space<hbm>>
        tpu.enqueue_indirect_dma source(%dma_start3A_423 : memref<524288x128xf32, #tpu.memory_space<hbm>>) target(%dma_start3A_419 : memref<64x128xf32, #tpu.memory_space<vmem>>) offsets(%dma_start3A_420 : memref<64xi32, #tpu.memory_space<vmem>>) semaphore(%arg7 : memref<!tpu.dma_semaphore, #tpu.memory_space<semaphore_mem>>)
        %mul3A_424 = arith.constant 320 : i32
        %mul3A_425 = arith.muli %add3A_359, %mul3A_424 : i32
        %add3A_426 = arith.constant 256 : i32
        %add3A_427 = arith.addi %mul3A_425, %add3A_426 : i32
        %dma_start3A_428 = arith.constant 0 : i32
        %dma_start3A_429 = arith.constant 0 : i32
        %dma_start3A_430 = arith.constant 0 : i32
        %dma_start3A_431 = tpu.memref_slice %arg6[%dma_start3A_428, %dma_start3A_429, %dma_start3A_430] : memref<2x320x128xf32, #tpu.memory_space<vmem>> -> memref<1x320x128xf32, #tpu.memory_space<vmem>>
        %dma_start3A_432 = tpu.memref_squeeze %dma_start3A_431 : memref<1x320x128xf32, #tpu.memory_space<vmem>> -> memref<320x128xf32, #tpu.memory_space<vmem>>
        %dma_start3A_433 = arith.constant 256 : i32
        %dma_start3A_434 = arith.constant 0 : i32
        %dma_start3A_435 = tpu.memref_slice %dma_start3A_432[%dma_start3A_433, %dma_start3A_434] : memref<320x128xf32, #tpu.memory_space<vmem>> -> memref<64x128xf32, #tpu.memory_space<vmem>>
        %dma_start3A_436 = tpu.memref_slice %arg5[%add3A_427] : memref<6400xi32, #tpu.memory_space<vmem>> -> memref<64xi32, #tpu.memory_space<vmem>>
        %dma_start3A_437 = arith.constant 0 : i32
        %dma_start3A_438 = arith.constant 0 : i32
        %dma_start3A_439 = tpu.memref_slice %arg3[%dma_start3A_437, %dma_start3A_438] : memref<524288x128xf32, #tpu.memory_space<hbm>> -> memref<524288x128xf32, #tpu.memory_space<hbm>>
        tpu.enqueue_indirect_dma source(%dma_start3A_439 : memref<524288x128xf32, #tpu.memory_space<hbm>>) target(%dma_start3A_435 : memref<64x128xf32, #tpu.memory_space<vmem>>) offsets(%dma_start3A_436 : memref<64xi32, #tpu.memory_space<vmem>>) semaphore(%arg7 : memref<!tpu.dma_semaphore, #tpu.memory_space<semaphore_mem>>)
      } else {
      }
      %mul3A_329 = arith.constant 320 : i32
      %mul3A_330 = arith.muli %add3A_76, %mul3A_329 : i32
      %add3A_331 = arith.addi %mul3A_2, %mul3A_330 : i32
      %dma_start3A_332 = arith.constant 1 : i32
      %dma_start3A_333 = arith.constant 0 : i32
      %dma_start3A_334 = arith.constant 0 : i32
      %dma_start3A_335 = tpu.memref_slice %arg6[%dma_start3A_332, %dma_start3A_333, %dma_start3A_334] : memref<2x320x128xf32, #tpu.memory_space<vmem>> -> memref<1x320x128xf32, #tpu.memory_space<vmem>>
      %dma_start3A_336 = tpu.memref_squeeze %dma_start3A_335 : memref<1x320x128xf32, #tpu.memory_space<vmem>> -> memref<320x128xf32, #tpu.memory_space<vmem>>
      %dma_start3A_337 = arith.constant 0 : i32
      %dma_start3A_338 = tpu.memref_slice %arg4[%add3A_331, %dma_start3A_337] : memref<204800x128xf32, #tpu.memory_space<hbm>> -> memref<320x128xf32, #tpu.memory_space<hbm>>
      %dma_start3A_339 = arith.constant 0 : i32
      %dma_start3A_340 = tpu.memref_slice %arg4[%add3A_331, %dma_start3A_339] : memref<204800x128xf32, #tpu.memory_space<hbm>> -> memref<320x128xf32, #tpu.memory_space<hbm>>
      %dma_start3A_341 = arith.constant 0 : i32
      %dma_start3A_342 = arith.constant 0 : i32
      %dma_start3A_343 = tpu.memref_slice %arg6[%dma_start3A_332, %dma_start3A_341, %dma_start3A_342] : memref<2x320x128xf32, #tpu.memory_space<vmem>> -> memref<1x320x128xf32, #tpu.memory_space<vmem>>
      %dma_start3A_344 = tpu.memref_squeeze %dma_start3A_343 : memref<1x320x128xf32, #tpu.memory_space<vmem>> -> memref<320x128xf32, #tpu.memory_space<vmem>>
      tpu.enqueue_dma source(%dma_start3A_344 : memref<320x128xf32, #tpu.memory_space<vmem>>) target(%dma_start3A_340 : memref<320x128xf32, #tpu.memory_space<hbm>>) target_semaphore(%arg9 : memref<!tpu.dma_semaphore, #tpu.memory_space<semaphore_mem>>)
      %dma_wait3A_345 = arith.constant 1 : i32
      %dma_wait3A_346 = arith.constant 0 : i32
      %dma_wait3A_347 = arith.constant 0 : i32
      %dma_wait3A_348 = tpu.memref_slice %arg6[%dma_wait3A_345, %dma_wait3A_346, %dma_wait3A_347] : memref<2x320x128xf32, #tpu.memory_space<vmem>> -> memref<1x320x128xf32, #tpu.memory_space<vmem>>
      %dma_wait3A_349 = tpu.memref_squeeze %dma_wait3A_348 : memref<1x320x128xf32, #tpu.memory_space<vmem>> -> memref<320x128xf32, #tpu.memory_space<vmem>>
      %dma_wait3A_350 = arith.constant 0 : i32
      %dma_wait3A_351 = tpu.memref_slice %arg4[%add3A_331, %dma_wait3A_350] : memref<204800x128xf32, #tpu.memory_space<hbm>> -> memref<320x128xf32, #tpu.memory_space<hbm>>
      %dma_wait3A_352 = arith.constant 0 : i32
      %dma_wait3A_353 = tpu.memref_slice %arg4[%add3A_331, %dma_wait3A_352] : memref<204800x128xf32, #tpu.memory_space<hbm>> -> memref<320x128xf32, #tpu.memory_space<hbm>>
      %dma_wait3A_354 = arith.constant 0 : i32
      %dma_wait3A_355 = arith.constant 0 : i32
      %dma_wait3A_356 = tpu.memref_slice %arg6[%dma_wait3A_345, %dma_wait3A_354, %dma_wait3A_355] : memref<2x320x128xf32, #tpu.memory_space<vmem>> -> memref<1x320x128xf32, #tpu.memory_space<vmem>>
      %dma_wait3A_357 = tpu.memref_squeeze %dma_wait3A_356 : memref<1x320x128xf32, #tpu.memory_space<vmem>> -> memref<320x128xf32, #tpu.memory_space<vmem>>
      tpu.wait_dma2 semaphore(%arg9 : memref<!tpu.dma_semaphore, #tpu.memory_space<semaphore_mem>>) src(%dma_wait3A_357 : memref<320x128xf32, #tpu.memory_space<vmem>>) dst(%dma_wait3A_353 : memref<320x128xf32, #tpu.memory_space<hbm>>)
    }
    %scan3A_71 = arith.constant 10 : i32
    return
  }
}

module attributes {stable_mosaic.version = 14 : i64} {
  func.func @body(%arg0: i32, %arg1: memref<64x8192xf32, #tpu.memory_space<vmem>>, %arg2: memref<64x8192xf32, #tpu.memory_space<vmem>>, %arg3: memref<64x64xf32, #tpu.memory_space<vmem>>, %arg4: memref<8192x128xf32, #tpu.memory_space<vmem>>) attributes {dimension_semantics = [#tpu.dimension_semantics<arbitrary>], iteration_bounds = array<i64: 64>, scalar_prefetch = 0 : i64, scratch_operands = 0 : i64, tpu.core_type = #tpu.core_type<tc>, window_params = [{transform_indices = @transform_0, window_bounds = array<i64: 64, 8192>}, {transform_indices = @transform_1, window_bounds = array<i64: 64, 8192>}, {pipeline_mode = #tpu.pipeline_mode<synchronous>, transform_indices = @transform_2, window_bounds = array<i64: 64, 64>}, {transform_indices = @transform_3, window_bounds = array<i64: 8192, 128>}]} {
    %get3A = arith.constant 0 : index
    %get3A_0 = arith.constant 0 : index
    %get3A_1 = vector.load %arg1[%get3A, %get3A_0] : memref<64x8192xf32, #tpu.memory_space<vmem>>, vector<64x8192xf32>
    %get3A_2 = arith.constant 0 : index
    %get3A_3 = arith.constant 0 : index
    %get3A_4 = vector.load %arg2[%get3A_2, %get3A_3] : memref<64x8192xf32, #tpu.memory_space<vmem>>, vector<64x8192xf32>
    %concatenate3A = tpu.concatenate %get3A_1, %get3A_4 in 0 : vector<64x8192xf32>, vector<64x8192xf32> -> vector<128x8192xf32>
    %transpose3A = tpu.transpose %concatenate3A, [1, 0] : vector<128x8192xf32> -> vector<8192x128xf32>
    %swap3A = arith.constant 0 : index
    %swap3A_5 = arith.constant 0 : index
    %swap3A_6 = vector.load %arg4[%swap3A, %swap3A_5] : memref<8192x128xf32, #tpu.memory_space<vmem>>, vector<8192x128xf32>
    tpu.vector_store %arg4[%swap3A, %swap3A_5], %transpose3A {strides = array<i32>} : memref<8192x128xf32, #tpu.memory_space<vmem>>, vector<8192x128xf32>,
    return
  }
  func.func @transform_0(%arg0: i32) -> (i32, i32) {
    %c0_i32 = arith.constant 0 : i32
    %c0_i32_0 = arith.constant 0 : i32
    return %c0_i32, %arg0 : i32, i32
  }
  func.func @transform_1(%arg0: i32) -> (i32, i32) {
    %add3A = arith.constant 64 : i32
    %add3A_0 = arith.addi %arg0, %add3A : i32
    %min3A = arith.constant 122 : i32
    %min3A_1 = arith.minsi %add3A_0, %min3A : i32
    %c0_i32 = arith.constant 0 : i32
    %c0_i32_2 = arith.constant 0 : i32
    return %c0_i32, %min3A_1 : i32, i32
  }
  func.func @transform_2(%arg0: i32) -> (i32, i32) {
    %c0_i32 = arith.constant 0 : i32
    %c0_i32_0 = arith.constant 0 : i32
    %c0_i32_1 = arith.constant 0 : i32
    return %c0_i32, %c0_i32_0 : i32, i32
  }
  func.func @transform_3(%arg0: i32) -> (i32, i32) {
    %c0_i32 = arith.constant 0 : i32
    %c0_i32_0 = arith.constant 0 : i32
    return %arg0, %c0_i32 : i32, i32
  }
}

module attributes {stable_mosaic.version = 14 : i64} {
  func.func @body(%arg0: i32, %arg1: memref<64x1024xf32, #tpu.memory_space<vmem>>, %arg2: memref<1x64x8xf32, #tpu.memory_space<vmem>>, %arg3: memref<64x64xf32, #tpu.memory_space<vmem>>, %arg4: memref<8x64x1024xf32, #tpu.memory_space<vmem>>) attributes {dimension_semantics = [#tpu.dimension_semantics<arbitrary>], iteration_bounds = array<i64: 25>, scalar_prefetch = 0 : i64, scratch_operands = 0 : i64, tpu.core_type = #tpu.core_type<tc>, window_params = [{pipeline_mode = #tpu.pipeline_mode<synchronous>, transform_indices = @transform_0, window_bounds = array<i64: 64, 1024>}, {transform_indices = @transform_1, window_bounds = array<i64: 1, 64, 8>}, {pipeline_mode = #tpu.pipeline_mode<synchronous>, transform_indices = @transform_2, window_bounds = array<i64: 64, 64>}, {transform_indices = @transform_3, window_bounds = array<i64: 8, 64, 1024>}]} {
    %get3A = arith.constant 0 : index
    %get3A_0 = arith.constant 0 : index
    %get3A_1 = vector.load %arg1[%get3A, %get3A_0] : memref<64x1024xf32, #tpu.memory_space<vmem>>, vector<64x1024xf32>
    %get3A_2 = arith.constant 0 : index
    %get3A_3 = arith.constant 0 : index
    %get3A_4 = vector.load %arg3[%get3A_2, %get3A_3] : memref<64x64xf32, #tpu.memory_space<vmem>>, vector<64x64xf32>
    %get3A_5 = arith.constant 0 : index
    %get3A_6 = arith.constant 0 : index
    %get3A_7 = arith.constant 0 : index
    %get3A_8 = vector.load %arg2[%get3A_5, %get3A_6, %get3A_7] : memref<1x64x8xf32, #tpu.memory_space<vmem>>, vector<1x64x1xf32>
    %get3A_9 = vector.shape_cast %get3A_8 : vector<1x64x1xf32> to vector<64xf32>
    %broadcast_in_dim3A = vector.shape_cast %get3A_9 : vector<64xf32> to vector<64x1xf32>
    %mul3A = vector.broadcast %broadcast_in_dim3A : vector<64x1xf32> to vector<64x1024xf32>
    %mul3A_10 = arith.mulf %get3A_1, %mul3A : vector<64x1024xf32>
    %dot_general3A = arith.constant dense<0.000000e+00> : vector<64x1024xf32>
    %dot_general3A_11 = tpu.matmul %get3A_4, %mul3A_10, %dot_general3A {dimension_numbers = #tpu.dot_dimension_numbers<[0], [0], [1], [1], [0, 1, 1, 1], [], []>, transpose_lhs_hint = false} : vector<64x64xf32>, vector<64x1024xf32>, vector<64x1024xf32> -> vector<64x1024xf32>
    %swap3A = arith.constant 0 : index
    %swap3A_12 = arith.constant 0 : index
    %swap3A_13 = arith.constant 0 : index
    %swap3A_14 = vector.load %arg4[%swap3A, %swap3A_12, %swap3A_13] : memref<8x64x1024xf32, #tpu.memory_space<vmem>>, vector<1x64x1024xf32>
    %swap3A_15 = vector.shape_cast %swap3A_14 : vector<1x64x1024xf32> to vector<64x1024xf32>
    %swap3A_16 = vector.shape_cast %dot_general3A_11 : vector<64x1024xf32> to vector<1x64x1024xf32>
    tpu.vector_store %arg4[%swap3A, %swap3A_12, %swap3A_13], %swap3A_16 {strides = array<i32>} : memref<8x64x1024xf32, #tpu.memory_space<vmem>>, vector<1x64x1024xf32>,
    %get3A_17 = arith.constant 0 : index
    %get3A_18 = arith.constant 0 : index
    %get3A_19 = arith.constant 1 : index
    %get3A_20 = vector.load %arg2[%get3A_17, %get3A_18, %get3A_19] : memref<1x64x8xf32, #tpu.memory_space<vmem>>, vector<1x64x1xf32>
    %get3A_21 = vector.shape_cast %get3A_20 : vector<1x64x1xf32> to vector<64xf32>
    %broadcast_in_dim3A_22 = vector.shape_cast %get3A_21 : vector<64xf32> to vector<64x1xf32>
    %mul3A_23 = vector.broadcast %broadcast_in_dim3A_22 : vector<64x1xf32> to vector<64x1024xf32>
    %mul3A_24 = arith.mulf %get3A_1, %mul3A_23 : vector<64x1024xf32>
    %dot_general3A_25 = arith.constant dense<0.000000e+00> : vector<64x1024xf32>
    %dot_general3A_26 = tpu.matmul %get3A_4, %mul3A_24, %dot_general3A_25 {dimension_numbers = #tpu.dot_dimension_numbers<[0], [0], [1], [1], [0, 1, 1, 1], [], []>, transpose_lhs_hint = false} : vector<64x64xf32>, vector<64x1024xf32>, vector<64x1024xf32> -> vector<64x1024xf32>
    %swap3A_27 = arith.constant 1 : index
    %swap3A_28 = arith.constant 0 : index
    %swap3A_29 = arith.constant 0 : index
    %swap3A_30 = vector.load %arg4[%swap3A_27, %swap3A_28, %swap3A_29] : memref<8x64x1024xf32, #tpu.memory_space<vmem>>, vector<1x64x1024xf32>
    %swap3A_31 = vector.shape_cast %swap3A_30 : vector<1x64x1024xf32> to vector<64x1024xf32>
    %swap3A_32 = vector.shape_cast %dot_general3A_26 : vector<64x1024xf32> to vector<1x64x1024xf32>
    tpu.vector_store %arg4[%swap3A_27, %swap3A_28, %swap3A_29], %swap3A_32 {strides = array<i32>} : memref<8x64x1024xf32, #tpu.memory_space<vmem>>, vector<1x64x1024xf32>,
    %get3A_33 = arith.constant 0 : index
    %get3A_34 = arith.constant 0 : index
    %get3A_35 = arith.constant 2 : index
    %get3A_36 = vector.load %arg2[%get3A_33, %get3A_34, %get3A_35] : memref<1x64x8xf32, #tpu.memory_space<vmem>>, vector<1x64x1xf32>
    %get3A_37 = vector.shape_cast %get3A_36 : vector<1x64x1xf32> to vector<64xf32>
    %broadcast_in_dim3A_38 = vector.shape_cast %get3A_37 : vector<64xf32> to vector<64x1xf32>
    %mul3A_39 = vector.broadcast %broadcast_in_dim3A_38 : vector<64x1xf32> to vector<64x1024xf32>
    %mul3A_40 = arith.mulf %get3A_1, %mul3A_39 : vector<64x1024xf32>
    %dot_general3A_41 = arith.constant dense<0.000000e+00> : vector<64x1024xf32>
    %dot_general3A_42 = tpu.matmul %get3A_4, %mul3A_40, %dot_general3A_41 {dimension_numbers = #tpu.dot_dimension_numbers<[0], [0], [1], [1], [0, 1, 1, 1], [], []>, transpose_lhs_hint = false} : vector<64x64xf32>, vector<64x1024xf32>, vector<64x1024xf32> -> vector<64x1024xf32>
    %swap3A_43 = arith.constant 2 : index
    %swap3A_44 = arith.constant 0 : index
    %swap3A_45 = arith.constant 0 : index
    %swap3A_46 = vector.load %arg4[%swap3A_43, %swap3A_44, %swap3A_45] : memref<8x64x1024xf32, #tpu.memory_space<vmem>>, vector<1x64x1024xf32>
    %swap3A_47 = vector.shape_cast %swap3A_46 : vector<1x64x1024xf32> to vector<64x1024xf32>
    %swap3A_48 = vector.shape_cast %dot_general3A_42 : vector<64x1024xf32> to vector<1x64x1024xf32>
    tpu.vector_store %arg4[%swap3A_43, %swap3A_44, %swap3A_45], %swap3A_48 {strides = array<i32>} : memref<8x64x1024xf32, #tpu.memory_space<vmem>>, vector<1x64x1024xf32>,
    %get3A_49 = arith.constant 0 : index
    %get3A_50 = arith.constant 0 : index
    %get3A_51 = arith.constant 3 : index
    %get3A_52 = vector.load %arg2[%get3A_49, %get3A_50, %get3A_51] : memref<1x64x8xf32, #tpu.memory_space<vmem>>, vector<1x64x1xf32>
    %get3A_53 = vector.shape_cast %get3A_52 : vector<1x64x1xf32> to vector<64xf32>
    %broadcast_in_dim3A_54 = vector.shape_cast %get3A_53 : vector<64xf32> to vector<64x1xf32>
    %mul3A_55 = vector.broadcast %broadcast_in_dim3A_54 : vector<64x1xf32> to vector<64x1024xf32>
    %mul3A_56 = arith.mulf %get3A_1, %mul3A_55 : vector<64x1024xf32>
    %dot_general3A_57 = arith.constant dense<0.000000e+00> : vector<64x1024xf32>
    %dot_general3A_58 = tpu.matmul %get3A_4, %mul3A_56, %dot_general3A_57 {dimension_numbers = #tpu.dot_dimension_numbers<[0], [0], [1], [1], [0, 1, 1, 1], [], []>, transpose_lhs_hint = false} : vector<64x64xf32>, vector<64x1024xf32>, vector<64x1024xf32> -> vector<64x1024xf32>
    %swap3A_59 = arith.constant 3 : index
    %swap3A_60 = arith.constant 0 : index
    %swap3A_61 = arith.constant 0 : index
    %swap3A_62 = vector.load %arg4[%swap3A_59, %swap3A_60, %swap3A_61] : memref<8x64x1024xf32, #tpu.memory_space<vmem>>, vector<1x64x1024xf32>
    %swap3A_63 = vector.shape_cast %swap3A_62 : vector<1x64x1024xf32> to vector<64x1024xf32>
    %swap3A_64 = vector.shape_cast %dot_general3A_58 : vector<64x1024xf32> to vector<1x64x1024xf32>
    tpu.vector_store %arg4[%swap3A_59, %swap3A_60, %swap3A_61], %swap3A_64 {strides = array<i32>} : memref<8x64x1024xf32, #tpu.memory_space<vmem>>, vector<1x64x1024xf32>,
    %get3A_65 = arith.constant 0 : index
    %get3A_66 = arith.constant 0 : index
    %get3A_67 = arith.constant 4 : index
    %get3A_68 = vector.load %arg2[%get3A_65, %get3A_66, %get3A_67] : memref<1x64x8xf32, #tpu.memory_space<vmem>>, vector<1x64x1xf32>
    %get3A_69 = vector.shape_cast %get3A_68 : vector<1x64x1xf32> to vector<64xf32>
    %broadcast_in_dim3A_70 = vector.shape_cast %get3A_69 : vector<64xf32> to vector<64x1xf32>
    %mul3A_71 = vector.broadcast %broadcast_in_dim3A_70 : vector<64x1xf32> to vector<64x1024xf32>
    %mul3A_72 = arith.mulf %get3A_1, %mul3A_71 : vector<64x1024xf32>
    %dot_general3A_73 = arith.constant dense<0.000000e+00> : vector<64x1024xf32>
    %dot_general3A_74 = tpu.matmul %get3A_4, %mul3A_72, %dot_general3A_73 {dimension_numbers = #tpu.dot_dimension_numbers<[0], [0], [1], [1], [0, 1, 1, 1], [], []>, transpose_lhs_hint = false} : vector<64x64xf32>, vector<64x1024xf32>, vector<64x1024xf32> -> vector<64x1024xf32>
    %swap3A_75 = arith.constant 4 : index
    %swap3A_76 = arith.constant 0 : index
    %swap3A_77 = arith.constant 0 : index
    %swap3A_78 = vector.load %arg4[%swap3A_75, %swap3A_76, %swap3A_77] : memref<8x64x1024xf32, #tpu.memory_space<vmem>>, vector<1x64x1024xf32>
    %swap3A_79 = vector.shape_cast %swap3A_78 : vector<1x64x1024xf32> to vector<64x1024xf32>
    %swap3A_80 = vector.shape_cast %dot_general3A_74 : vector<64x1024xf32> to vector<1x64x1024xf32>
    tpu.vector_store %arg4[%swap3A_75, %swap3A_76, %swap3A_77], %swap3A_80 {strides = array<i32>} : memref<8x64x1024xf32, #tpu.memory_space<vmem>>, vector<1x64x1024xf32>,
    %get3A_81 = arith.constant 0 : index
    %get3A_82 = arith.constant 0 : index
    %get3A_83 = arith.constant 5 : index
    %get3A_84 = vector.load %arg2[%get3A_81, %get3A_82, %get3A_83] : memref<1x64x8xf32, #tpu.memory_space<vmem>>, vector<1x64x1xf32>
    %get3A_85 = vector.shape_cast %get3A_84 : vector<1x64x1xf32> to vector<64xf32>
    %broadcast_in_dim3A_86 = vector.shape_cast %get3A_85 : vector<64xf32> to vector<64x1xf32>
    %mul3A_87 = vector.broadcast %broadcast_in_dim3A_86 : vector<64x1xf32> to vector<64x1024xf32>
    %mul3A_88 = arith.mulf %get3A_1, %mul3A_87 : vector<64x1024xf32>
    %dot_general3A_89 = arith.constant dense<0.000000e+00> : vector<64x1024xf32>
    %dot_general3A_90 = tpu.matmul %get3A_4, %mul3A_88, %dot_general3A_89 {dimension_numbers = #tpu.dot_dimension_numbers<[0], [0], [1], [1], [0, 1, 1, 1], [], []>, transpose_lhs_hint = false} : vector<64x64xf32>, vector<64x1024xf32>, vector<64x1024xf32> -> vector<64x1024xf32>
    %swap3A_91 = arith.constant 5 : index
    %swap3A_92 = arith.constant 0 : index
    %swap3A_93 = arith.constant 0 : index
    %swap3A_94 = vector.load %arg4[%swap3A_91, %swap3A_92, %swap3A_93] : memref<8x64x1024xf32, #tpu.memory_space<vmem>>, vector<1x64x1024xf32>
    %swap3A_95 = vector.shape_cast %swap3A_94 : vector<1x64x1024xf32> to vector<64x1024xf32>
    %swap3A_96 = vector.shape_cast %dot_general3A_90 : vector<64x1024xf32> to vector<1x64x1024xf32>
    tpu.vector_store %arg4[%swap3A_91, %swap3A_92, %swap3A_93], %swap3A_96 {strides = array<i32>} : memref<8x64x1024xf32, #tpu.memory_space<vmem>>, vector<1x64x1024xf32>,
    %get3A_97 = arith.constant 0 : index
    %get3A_98 = arith.constant 0 : index
    %get3A_99 = arith.constant 6 : index
    %get3A_100 = vector.load %arg2[%get3A_97, %get3A_98, %get3A_99] : memref<1x64x8xf32, #tpu.memory_space<vmem>>, vector<1x64x1xf32>
    %get3A_101 = vector.shape_cast %get3A_100 : vector<1x64x1xf32> to vector<64xf32>
    %broadcast_in_dim3A_102 = vector.shape_cast %get3A_101 : vector<64xf32> to vector<64x1xf32>
    %mul3A_103 = vector.broadcast %broadcast_in_dim3A_102 : vector<64x1xf32> to vector<64x1024xf32>
    %mul3A_104 = arith.mulf %get3A_1, %mul3A_103 : vector<64x1024xf32>
    %dot_general3A_105 = arith.constant dense<0.000000e+00> : vector<64x1024xf32>
    %dot_general3A_106 = tpu.matmul %get3A_4, %mul3A_104, %dot_general3A_105 {dimension_numbers = #tpu.dot_dimension_numbers<[0], [0], [1], [1], [0, 1, 1, 1], [], []>, transpose_lhs_hint = false} : vector<64x64xf32>, vector<64x1024xf32>, vector<64x1024xf32> -> vector<64x1024xf32>
    %swap3A_107 = arith.constant 6 : index
    %swap3A_108 = arith.constant 0 : index
    %swap3A_109 = arith.constant 0 : index
    %swap3A_110 = vector.load %arg4[%swap3A_107, %swap3A_108, %swap3A_109] : memref<8x64x1024xf32, #tpu.memory_space<vmem>>, vector<1x64x1024xf32>
    %swap3A_111 = vector.shape_cast %swap3A_110 : vector<1x64x1024xf32> to vector<64x1024xf32>
    %swap3A_112 = vector.shape_cast %dot_general3A_106 : vector<64x1024xf32> to vector<1x64x1024xf32>
    tpu.vector_store %arg4[%swap3A_107, %swap3A_108, %swap3A_109], %swap3A_112 {strides = array<i32>} : memref<8x64x1024xf32, #tpu.memory_space<vmem>>, vector<1x64x1024xf32>,
    %get3A_113 = arith.constant 0 : index
    %get3A_114 = arith.constant 0 : index
    %get3A_115 = arith.constant 7 : index
    %get3A_116 = vector.load %arg2[%get3A_113, %get3A_114, %get3A_115] : memref<1x64x8xf32, #tpu.memory_space<vmem>>, vector<1x64x1xf32>
    %get3A_117 = vector.shape_cast %get3A_116 : vector<1x64x1xf32> to vector<64xf32>
    %broadcast_in_dim3A_118 = vector.shape_cast %get3A_117 : vector<64xf32> to vector<64x1xf32>
    %mul3A_119 = vector.broadcast %broadcast_in_dim3A_118 : vector<64x1xf32> to vector<64x1024xf32>
    %mul3A_120 = arith.mulf %get3A_1, %mul3A_119 : vector<64x1024xf32>
    %dot_general3A_121 = arith.constant dense<0.000000e+00> : vector<64x1024xf32>
    %dot_general3A_122 = tpu.matmul %get3A_4, %mul3A_120, %dot_general3A_121 {dimension_numbers = #tpu.dot_dimension_numbers<[0], [0], [1], [1], [0, 1, 1, 1], [], []>, transpose_lhs_hint = false} : vector<64x64xf32>, vector<64x1024xf32>, vector<64x1024xf32> -> vector<64x1024xf32>
    %swap3A_123 = arith.constant 7 : index
    %swap3A_124 = arith.constant 0 : index
    %swap3A_125 = arith.constant 0 : index
    %swap3A_126 = vector.load %arg4[%swap3A_123, %swap3A_124, %swap3A_125] : memref<8x64x1024xf32, #tpu.memory_space<vmem>>, vector<1x64x1024xf32>
    %swap3A_127 = vector.shape_cast %swap3A_126 : vector<1x64x1024xf32> to vector<64x1024xf32>
    %swap3A_128 = vector.shape_cast %dot_general3A_122 : vector<64x1024xf32> to vector<1x64x1024xf32>
    tpu.vector_store %arg4[%swap3A_123, %swap3A_124, %swap3A_125], %swap3A_128 {strides = array<i32>} : memref<8x64x1024xf32, #tpu.memory_space<vmem>>, vector<1x64x1024xf32>,
    return
  }
  func.func @transform_0(%arg0: i32) -> (i32, i32) {
    %c0_i32 = arith.constant 0 : i32
    %c0_i32_0 = arith.constant 0 : i32
    %c0_i32_1 = arith.constant 0 : i32
    return %c0_i32, %c0_i32_0 : i32, i32
  }
  func.func @transform_1(%arg0: i32) -> (i32, i32, i32) {
    %c0_i32 = arith.constant 0 : i32
    %c0_i32_0 = arith.constant 0 : i32
    %c0_i32_1 = arith.constant 0 : i32
    return %arg0, %c0_i32, %c0_i32_0 : i32, i32, i32
  }
  func.func @transform_2(%arg0: i32) -> (i32, i32) {
    %c0_i32 = arith.constant 0 : i32
    %c0_i32_0 = arith.constant 0 : i32
    %c0_i32_1 = arith.constant 0 : i32
    return %c0_i32, %c0_i32_0 : i32, i32
  }
  func.func @transform_3(%arg0: i32) -> (i32, i32, i32) {
    %c0_i32 = arith.constant 0 : i32
    %c0_i32_0 = arith.constant 0 : i32
    %c0_i32_1 = arith.constant 0 : i32
    return %arg0, %c0_i32, %c0_i32_0 : i32, i32, i32
  }
}

module attributes {stable_mosaic.version = 14 : i64} {
  func.func @body(%arg0: i32, %arg1: memref<8192x128xf32, #tpu.memory_space<vmem>>, %arg2: memref<8x1x1024xf32, #tpu.memory_space<vmem>>, %arg3: memref<7x8x1024xf32, #tpu.memory_space<vmem>>, %arg4: memref<1x64x8xf32, #tpu.memory_space<vmem>>, %arg5: memref<7x64xf32, #tpu.memory_space<vmem>>, %arg6: memref<2x64x128xf32, #tpu.memory_space<vmem>>, %arg7: memref<8x64x1024xf32, #tpu.memory_space<vmem>>) attributes {dimension_semantics = [#tpu.dimension_semantics<arbitrary>], iteration_bounds = array<i64: 25>, scalar_prefetch = 0 : i64, scratch_operands = 0 : i64, tpu.core_type = #tpu.core_type<tc>, window_params = [{transform_indices = @transform_0, window_bounds = array<i64: 8192, 128>}, {transform_indices = @transform_1, window_bounds = array<i64: 8, 1, 1024>}, {transform_indices = @transform_2, window_bounds = array<i64: 7, 8, 1024>}, {transform_indices = @transform_3, window_bounds = array<i64: 1, 64, 8>}, {pipeline_mode = #tpu.pipeline_mode<synchronous>, transform_indices = @transform_4, window_bounds = array<i64: 7, 64>}, {pipeline_mode = #tpu.pipeline_mode<synchronous>, transform_indices = @transform_5, window_bounds = array<i64: 2, 64, 128>}, {transform_indices = @transform_6, window_bounds = array<i64: 8, 64, 1024>}]} {
    %get3A = arith.constant 0 : index
    %get3A_0 = arith.constant 0 : index
    %get3A_1 = vector.load %arg1[%get3A, %get3A_0] : memref<8192x128xf32, #tpu.memory_space<vmem>>, vector<8192x128xf32>
    %reshape3A = vector.shape_cast %get3A_1 : vector<8192x128xf32> to vector<8x1024x128xf32>
    %get3A_2 = arith.constant 0 : index
    %get3A_3 = arith.constant 0 : index
    %get3A_4 = arith.constant 0 : index
    %get3A_5 = vector.load %arg2[%get3A_2, %get3A_3, %get3A_4] : memref<8x1x1024xf32, #tpu.memory_space<vmem>>, vector<8x1x1024xf32>
    %get3A_6 = arith.constant 0 : index
    %get3A_7 = arith.constant 0 : index
    %get3A_8 = vector.load %arg5[%get3A_6, %get3A_7] : memref<7x64xf32, #tpu.memory_space<vmem>>, vector<7x64xf32>
    %get3A_9 = arith.constant 0 : index
    %get3A_10 = arith.constant 0 : index
    %get3A_11 = arith.constant 0 : index
    %get3A_12 = vector.load %arg6[%get3A_9, %get3A_10, %get3A_11] : memref<2x64x128xf32, #tpu.memory_space<vmem>>, vector<1x64x128xf32>
    %get3A_13 = vector.shape_cast %get3A_12 : vector<1x64x128xf32> to vector<64x128xf32>
    %get3A_14 = arith.constant 1 : index
    %get3A_15 = arith.constant 0 : index
    %get3A_16 = arith.constant 0 : index
    %get3A_17 = vector.load %arg6[%get3A_14, %get3A_15, %get3A_16] : memref<2x64x128xf32, #tpu.memory_space<vmem>>, vector<1x64x128xf32>
    %get3A_18 = vector.shape_cast %get3A_17 : vector<1x64x128xf32> to vector<64x128xf32>
    %slice3A = vector.extract_strided_slice %reshape3A {offsets = [0, 0, 0], sizes = [1, 1024, 128], strides = [1, 1, 1]} : vector<8x1024x128xf32> to vector<1x1024x128xf32>
    %squeeze3A = vector.shape_cast %slice3A : vector<1x1024x128xf32> to vector<1024x128xf32>
    %dot_general3A = arith.constant dense<0.000000e+00> : vector<64x1024xf32>
    %dot_general3A_19 = tpu.matmul %get3A_13, %squeeze3A, %dot_general3A {dimension_numbers = #tpu.dot_dimension_numbers<[1], [1], [0], [0], [0, 0, 1, 0], [], []>, transpose_lhs_hint = false} : vector<64x128xf32>, vector<1024x128xf32>, vector<64x1024xf32> -> vector<64x1024xf32>
    %slice3A_20 = vector.extract_strided_slice %reshape3A {offsets = [0, 0, 0], sizes = [1, 1024, 128], strides = [1, 1, 1]} : vector<8x1024x128xf32> to vector<1x1024x128xf32>
    %squeeze3A_21 = vector.shape_cast %slice3A_20 : vector<1x1024x128xf32> to vector<1024x128xf32>
    %dot_general3A_22 = arith.constant dense<0.000000e+00> : vector<64x1024xf32>
    %dot_general3A_23 = tpu.matmul %get3A_18, %squeeze3A_21, %dot_general3A_22 {dimension_numbers = #tpu.dot_dimension_numbers<[1], [1], [0], [0], [0, 0, 1, 0], [], []>, transpose_lhs_hint = false} : vector<64x128xf32>, vector<1024x128xf32>, vector<64x1024xf32> -> vector<64x1024xf32>
    %slice3A_24 = vector.extract_strided_slice %get3A_5 {offsets = [0, 0, 0], sizes = [1, 1, 1024], strides = [1, 1, 1]} : vector<8x1x1024xf32> to vector<1x1x1024xf32>
    %squeeze3A_25 = vector.shape_cast %slice3A_24 : vector<1x1x1024xf32> to vector<1x1024xf32>
    %sub3A = arith.subf %dot_general3A_23, %dot_general3A_19 : vector<64x1024xf32>
    %mul3A = vector.broadcast %squeeze3A_25 : vector<1x1024xf32> to vector<64x1024xf32>
    %mul3A_26 = arith.mulf %mul3A, %sub3A : vector<64x1024xf32>
    %add3A = arith.addf %dot_general3A_19, %mul3A_26 : vector<64x1024xf32>
    %get3A_27 = arith.constant 0 : index
    %get3A_28 = arith.constant 0 : index
    %get3A_29 = arith.constant 0 : index
    %get3A_30 = vector.load %arg3[%get3A_27, %get3A_28, %get3A_29] : memref<7x8x1024xf32, #tpu.memory_space<vmem>>, vector<7x1x1024xf32>
    %get3A_31 = vector.shape_cast %get3A_30 : vector<7x1x1024xf32> to vector<7x1024xf32>
    %dot_general3A_32 = arith.constant dense<0.000000e+00> : vector<64x1024xf32>
    %dot_general3A_33 = tpu.matmul %get3A_8, %get3A_31, %dot_general3A_32 {dimension_numbers = #tpu.dot_dimension_numbers<[0], [0], [1], [1], [0, 1, 1, 1], [], []>, transpose_lhs_hint = false} : vector<7x64xf32>, vector<7x1024xf32>, vector<64x1024xf32> -> vector<64x1024xf32>
    %add3A_34 = arith.addf %add3A, %dot_general3A_33 : vector<64x1024xf32>
    %get3A_35 = arith.constant 0 : index
    %get3A_36 = arith.constant 0 : index
    %get3A_37 = arith.constant 0 : index
    %get3A_38 = vector.load %arg4[%get3A_35, %get3A_36, %get3A_37] : memref<1x64x8xf32, #tpu.memory_space<vmem>>, vector<1x64x1xf32>
    %get3A_39 = vector.shape_cast %get3A_38 : vector<1x64x1xf32> to vector<64xf32>
    %broadcast_in_dim3A = vector.shape_cast %get3A_39 : vector<64xf32> to vector<64x1xf32>
    %add3A_40 = vector.broadcast %broadcast_in_dim3A : vector<64x1xf32> to vector<64x1024xf32>
    %add3A_41 = arith.addf %add3A_34, %add3A_40 : vector<64x1024xf32>
    %swap3A = arith.constant 0 : index
    %swap3A_42 = arith.constant 0 : index
    %swap3A_43 = arith.constant 0 : index
    %swap3A_44 = vector.load %arg7[%swap3A, %swap3A_42, %swap3A_43] : memref<8x64x1024xf32, #tpu.memory_space<vmem>>, vector<1x64x1024xf32>
    %swap3A_45 = vector.shape_cast %swap3A_44 : vector<1x64x1024xf32> to vector<64x1024xf32>
    %swap3A_46 = vector.shape_cast %add3A_41 : vector<64x1024xf32> to vector<1x64x1024xf32>
    tpu.vector_store %arg7[%swap3A, %swap3A_42, %swap3A_43], %swap3A_46 {strides = array<i32>} : memref<8x64x1024xf32, #tpu.memory_space<vmem>>, vector<1x64x1024xf32>,
    %slice3A_47 = vector.extract_strided_slice %reshape3A {offsets = [1, 0, 0], sizes = [1, 1024, 128], strides = [1, 1, 1]} : vector<8x1024x128xf32> to vector<1x1024x128xf32>
    %squeeze3A_48 = vector.shape_cast %slice3A_47 : vector<1x1024x128xf32> to vector<1024x128xf32>
    %dot_general3A_49 = arith.constant dense<0.000000e+00> : vector<64x1024xf32>
    %dot_general3A_50 = tpu.matmul %get3A_13, %squeeze3A_48, %dot_general3A_49 {dimension_numbers = #tpu.dot_dimension_numbers<[1], [1], [0], [0], [0, 0, 1, 0], [], []>, transpose_lhs_hint = false} : vector<64x128xf32>, vector<1024x128xf32>, vector<64x1024xf32> -> vector<64x1024xf32>
    %slice3A_51 = vector.extract_strided_slice %reshape3A {offsets = [1, 0, 0], sizes = [1, 1024, 128], strides = [1, 1, 1]} : vector<8x1024x128xf32> to vector<1x1024x128xf32>
    %squeeze3A_52 = vector.shape_cast %slice3A_51 : vector<1x1024x128xf32> to vector<1024x128xf32>
    %dot_general3A_53 = arith.constant dense<0.000000e+00> : vector<64x1024xf32>
    %dot_general3A_54 = tpu.matmul %get3A_18, %squeeze3A_52, %dot_general3A_53 {dimension_numbers = #tpu.dot_dimension_numbers<[1], [1], [0], [0], [0, 0, 1, 0], [], []>, transpose_lhs_hint = false} : vector<64x128xf32>, vector<1024x128xf32>, vector<64x1024xf32> -> vector<64x1024xf32>
    %slice3A_55 = vector.extract_strided_slice %get3A_5 {offsets = [1, 0, 0], sizes = [1, 1, 1024], strides = [1, 1, 1]} : vector<8x1x1024xf32> to vector<1x1x1024xf32>
    %squeeze3A_56 = vector.shape_cast %slice3A_55 : vector<1x1x1024xf32> to vector<1x1024xf32>
    %sub3A_57 = arith.subf %dot_general3A_54, %dot_general3A_50 : vector<64x1024xf32>
    %mul3A_58 = vector.broadcast %squeeze3A_56 : vector<1x1024xf32> to vector<64x1024xf32>
    %mul3A_59 = arith.mulf %mul3A_58, %sub3A_57 : vector<64x1024xf32>
    %add3A_60 = arith.addf %dot_general3A_50, %mul3A_59 : vector<64x1024xf32>
    %get3A_61 = arith.constant 0 : index
    %get3A_62 = arith.constant 1 : index
    %get3A_63 = arith.constant 0 : index
    %get3A_64 = vector.load %arg3[%get3A_61, %get3A_62, %get3A_63] : memref<7x8x1024xf32, #tpu.memory_space<vmem>>, vector<7x1x1024xf32>
    %get3A_65 = vector.shape_cast %get3A_64 : vector<7x1x1024xf32> to vector<7x1024xf32>
    %dot_general3A_66 = arith.constant dense<0.000000e+00> : vector<64x1024xf32>
    %dot_general3A_67 = tpu.matmul %get3A_8, %get3A_65, %dot_general3A_66 {dimension_numbers = #tpu.dot_dimension_numbers<[0], [0], [1], [1], [0, 1, 1, 1], [], []>, transpose_lhs_hint = false} : vector<7x64xf32>, vector<7x1024xf32>, vector<64x1024xf32> -> vector<64x1024xf32>
    %add3A_68 = arith.addf %add3A_60, %dot_general3A_67 : vector<64x1024xf32>
    %get3A_69 = arith.constant 0 : index
    %get3A_70 = arith.constant 0 : index
    %get3A_71 = arith.constant 1 : index
    %get3A_72 = vector.load %arg4[%get3A_69, %get3A_70, %get3A_71] : memref<1x64x8xf32, #tpu.memory_space<vmem>>, vector<1x64x1xf32>
    %get3A_73 = vector.shape_cast %get3A_72 : vector<1x64x1xf32> to vector<64xf32>
    %broadcast_in_dim3A_74 = vector.shape_cast %get3A_73 : vector<64xf32> to vector<64x1xf32>
    %add3A_75 = vector.broadcast %broadcast_in_dim3A_74 : vector<64x1xf32> to vector<64x1024xf32>
    %add3A_76 = arith.addf %add3A_68, %add3A_75 : vector<64x1024xf32>
    %swap3A_77 = arith.constant 1 : index
    %swap3A_78 = arith.constant 0 : index
    %swap3A_79 = arith.constant 0 : index
    %swap3A_80 = vector.load %arg7[%swap3A_77, %swap3A_78, %swap3A_79] : memref<8x64x1024xf32, #tpu.memory_space<vmem>>, vector<1x64x1024xf32>
    %swap3A_81 = vector.shape_cast %swap3A_80 : vector<1x64x1024xf32> to vector<64x1024xf32>
    %swap3A_82 = vector.shape_cast %add3A_76 : vector<64x1024xf32> to vector<1x64x1024xf32>
    tpu.vector_store %arg7[%swap3A_77, %swap3A_78, %swap3A_79], %swap3A_82 {strides = array<i32>} : memref<8x64x1024xf32, #tpu.memory_space<vmem>>, vector<1x64x1024xf32>,
    %slice3A_83 = vector.extract_strided_slice %reshape3A {offsets = [2, 0, 0], sizes = [1, 1024, 128], strides = [1, 1, 1]} : vector<8x1024x128xf32> to vector<1x1024x128xf32>
    %squeeze3A_84 = vector.shape_cast %slice3A_83 : vector<1x1024x128xf32> to vector<1024x128xf32>
    %dot_general3A_85 = arith.constant dense<0.000000e+00> : vector<64x1024xf32>
    %dot_general3A_86 = tpu.matmul %get3A_13, %squeeze3A_84, %dot_general3A_85 {dimension_numbers = #tpu.dot_dimension_numbers<[1], [1], [0], [0], [0, 0, 1, 0], [], []>, transpose_lhs_hint = false} : vector<64x128xf32>, vector<1024x128xf32>, vector<64x1024xf32> -> vector<64x1024xf32>
    %slice3A_87 = vector.extract_strided_slice %reshape3A {offsets = [2, 0, 0], sizes = [1, 1024, 128], strides = [1, 1, 1]} : vector<8x1024x128xf32> to vector<1x1024x128xf32>
    %squeeze3A_88 = vector.shape_cast %slice3A_87 : vector<1x1024x128xf32> to vector<1024x128xf32>
    %dot_general3A_89 = arith.constant dense<0.000000e+00> : vector<64x1024xf32>
    %dot_general3A_90 = tpu.matmul %get3A_18, %squeeze3A_88, %dot_general3A_89 {dimension_numbers = #tpu.dot_dimension_numbers<[1], [1], [0], [0], [0, 0, 1, 0], [], []>, transpose_lhs_hint = false} : vector<64x128xf32>, vector<1024x128xf32>, vector<64x1024xf32> -> vector<64x1024xf32>
    %slice3A_91 = vector.extract_strided_slice %get3A_5 {offsets = [2, 0, 0], sizes = [1, 1, 1024], strides = [1, 1, 1]} : vector<8x1x1024xf32> to vector<1x1x1024xf32>
    %squeeze3A_92 = vector.shape_cast %slice3A_91 : vector<1x1x1024xf32> to vector<1x1024xf32>
    %sub3A_93 = arith.subf %dot_general3A_90, %dot_general3A_86 : vector<64x1024xf32>
    %mul3A_94 = vector.broadcast %squeeze3A_92 : vector<1x1024xf32> to vector<64x1024xf32>
    %mul3A_95 = arith.mulf %mul3A_94, %sub3A_93 : vector<64x1024xf32>
    %add3A_96 = arith.addf %dot_general3A_86, %mul3A_95 : vector<64x1024xf32>
    %get3A_97 = arith.constant 0 : index
    %get3A_98 = arith.constant 2 : index
    %get3A_99 = arith.constant 0 : index
    %get3A_100 = vector.load %arg3[%get3A_97, %get3A_98, %get3A_99] : memref<7x8x1024xf32, #tpu.memory_space<vmem>>, vector<7x1x1024xf32>
    %get3A_101 = vector.shape_cast %get3A_100 : vector<7x1x1024xf32> to vector<7x1024xf32>
    %dot_general3A_102 = arith.constant dense<0.000000e+00> : vector<64x1024xf32>
    %dot_general3A_103 = tpu.matmul %get3A_8, %get3A_101, %dot_general3A_102 {dimension_numbers = #tpu.dot_dimension_numbers<[0], [0], [1], [1], [0, 1, 1, 1], [], []>, transpose_lhs_hint = false} : vector<7x64xf32>, vector<7x1024xf32>, vector<64x1024xf32> -> vector<64x1024xf32>
    %add3A_104 = arith.addf %add3A_96, %dot_general3A_103 : vector<64x1024xf32>
    %get3A_105 = arith.constant 0 : index
    %get3A_106 = arith.constant 0 : index
    %get3A_107 = arith.constant 2 : index
    %get3A_108 = vector.load %arg4[%get3A_105, %get3A_106, %get3A_107] : memref<1x64x8xf32, #tpu.memory_space<vmem>>, vector<1x64x1xf32>
    %get3A_109 = vector.shape_cast %get3A_108 : vector<1x64x1xf32> to vector<64xf32>
    %broadcast_in_dim3A_110 = vector.shape_cast %get3A_109 : vector<64xf32> to vector<64x1xf32>
    %add3A_111 = vector.broadcast %broadcast_in_dim3A_110 : vector<64x1xf32> to vector<64x1024xf32>
    %add3A_112 = arith.addf %add3A_104, %add3A_111 : vector<64x1024xf32>
    %swap3A_113 = arith.constant 2 : index
    %swap3A_114 = arith.constant 0 : index
    %swap3A_115 = arith.constant 0 : index
    %swap3A_116 = vector.load %arg7[%swap3A_113, %swap3A_114, %swap3A_115] : memref<8x64x1024xf32, #tpu.memory_space<vmem>>, vector<1x64x1024xf32>
    %swap3A_117 = vector.shape_cast %swap3A_116 : vector<1x64x1024xf32> to vector<64x1024xf32>
    %swap3A_118 = vector.shape_cast %add3A_112 : vector<64x1024xf32> to vector<1x64x1024xf32>
    tpu.vector_store %arg7[%swap3A_113, %swap3A_114, %swap3A_115], %swap3A_118 {strides = array<i32>} : memref<8x64x1024xf32, #tpu.memory_space<vmem>>, vector<1x64x1024xf32>,
    %slice3A_119 = vector.extract_strided_slice %reshape3A {offsets = [3, 0, 0], sizes = [1, 1024, 128], strides = [1, 1, 1]} : vector<8x1024x128xf32> to vector<1x1024x128xf32>
    %squeeze3A_120 = vector.shape_cast %slice3A_119 : vector<1x1024x128xf32> to vector<1024x128xf32>
    %dot_general3A_121 = arith.constant dense<0.000000e+00> : vector<64x1024xf32>
    %dot_general3A_122 = tpu.matmul %get3A_13, %squeeze3A_120, %dot_general3A_121 {dimension_numbers = #tpu.dot_dimension_numbers<[1], [1], [0], [0], [0, 0, 1, 0], [], []>, transpose_lhs_hint = false} : vector<64x128xf32>, vector<1024x128xf32>, vector<64x1024xf32> -> vector<64x1024xf32>
    %slice3A_123 = vector.extract_strided_slice %reshape3A {offsets = [3, 0, 0], sizes = [1, 1024, 128], strides = [1, 1, 1]} : vector<8x1024x128xf32> to vector<1x1024x128xf32>
    %squeeze3A_124 = vector.shape_cast %slice3A_123 : vector<1x1024x128xf32> to vector<1024x128xf32>
    %dot_general3A_125 = arith.constant dense<0.000000e+00> : vector<64x1024xf32>
    %dot_general3A_126 = tpu.matmul %get3A_18, %squeeze3A_124, %dot_general3A_125 {dimension_numbers = #tpu.dot_dimension_numbers<[1], [1], [0], [0], [0, 0, 1, 0], [], []>, transpose_lhs_hint = false} : vector<64x128xf32>, vector<1024x128xf32>, vector<64x1024xf32> -> vector<64x1024xf32>
    %slice3A_127 = vector.extract_strided_slice %get3A_5 {offsets = [3, 0, 0], sizes = [1, 1, 1024], strides = [1, 1, 1]} : vector<8x1x1024xf32> to vector<1x1x1024xf32>
    %squeeze3A_128 = vector.shape_cast %slice3A_127 : vector<1x1x1024xf32> to vector<1x1024xf32>
    %sub3A_129 = arith.subf %dot_general3A_126, %dot_general3A_122 : vector<64x1024xf32>
    %mul3A_130 = vector.broadcast %squeeze3A_128 : vector<1x1024xf32> to vector<64x1024xf32>
    %mul3A_131 = arith.mulf %mul3A_130, %sub3A_129 : vector<64x1024xf32>
    %add3A_132 = arith.addf %dot_general3A_122, %mul3A_131 : vector<64x1024xf32>
    %get3A_133 = arith.constant 0 : index
    %get3A_134 = arith.constant 3 : index
    %get3A_135 = arith.constant 0 : index
    %get3A_136 = vector.load %arg3[%get3A_133, %get3A_134, %get3A_135] : memref<7x8x1024xf32, #tpu.memory_space<vmem>>, vector<7x1x1024xf32>
    %get3A_137 = vector.shape_cast %get3A_136 : vector<7x1x1024xf32> to vector<7x1024xf32>
    %dot_general3A_138 = arith.constant dense<0.000000e+00> : vector<64x1024xf32>
    %dot_general3A_139 = tpu.matmul %get3A_8, %get3A_137, %dot_general3A_138 {dimension_numbers = #tpu.dot_dimension_numbers<[0], [0], [1], [1], [0, 1, 1, 1], [], []>, transpose_lhs_hint = false} : vector<7x64xf32>, vector<7x1024xf32>, vector<64x1024xf32> -> vector<64x1024xf32>
    %add3A_140 = arith.addf %add3A_132, %dot_general3A_139 : vector<64x1024xf32>
    %get3A_141 = arith.constant 0 : index
    %get3A_142 = arith.constant 0 : index
    %get3A_143 = arith.constant 3 : index
    %get3A_144 = vector.load %arg4[%get3A_141, %get3A_142, %get3A_143] : memref<1x64x8xf32, #tpu.memory_space<vmem>>, vector<1x64x1xf32>
    %get3A_145 = vector.shape_cast %get3A_144 : vector<1x64x1xf32> to vector<64xf32>
    %broadcast_in_dim3A_146 = vector.shape_cast %get3A_145 : vector<64xf32> to vector<64x1xf32>
    %add3A_147 = vector.broadcast %broadcast_in_dim3A_146 : vector<64x1xf32> to vector<64x1024xf32>
    %add3A_148 = arith.addf %add3A_140, %add3A_147 : vector<64x1024xf32>
    %swap3A_149 = arith.constant 3 : index
    %swap3A_150 = arith.constant 0 : index
    %swap3A_151 = arith.constant 0 : index
    %swap3A_152 = vector.load %arg7[%swap3A_149, %swap3A_150, %swap3A_151] : memref<8x64x1024xf32, #tpu.memory_space<vmem>>, vector<1x64x1024xf32>
    %swap3A_153 = vector.shape_cast %swap3A_152 : vector<1x64x1024xf32> to vector<64x1024xf32>
    %swap3A_154 = vector.shape_cast %add3A_148 : vector<64x1024xf32> to vector<1x64x1024xf32>
    tpu.vector_store %arg7[%swap3A_149, %swap3A_150, %swap3A_151], %swap3A_154 {strides = array<i32>} : memref<8x64x1024xf32, #tpu.memory_space<vmem>>, vector<1x64x1024xf32>,
    %slice3A_155 = vector.extract_strided_slice %reshape3A {offsets = [4, 0, 0], sizes = [1, 1024, 128], strides = [1, 1, 1]} : vector<8x1024x128xf32> to vector<1x1024x128xf32>
    %squeeze3A_156 = vector.shape_cast %slice3A_155 : vector<1x1024x128xf32> to vector<1024x128xf32>
    %dot_general3A_157 = arith.constant dense<0.000000e+00> : vector<64x1024xf32>
    %dot_general3A_158 = tpu.matmul %get3A_13, %squeeze3A_156, %dot_general3A_157 {dimension_numbers = #tpu.dot_dimension_numbers<[1], [1], [0], [0], [0, 0, 1, 0], [], []>, transpose_lhs_hint = false} : vector<64x128xf32>, vector<1024x128xf32>, vector<64x1024xf32> -> vector<64x1024xf32>
    %slice3A_159 = vector.extract_strided_slice %reshape3A {offsets = [4, 0, 0], sizes = [1, 1024, 128], strides = [1, 1, 1]} : vector<8x1024x128xf32> to vector<1x1024x128xf32>
    %squeeze3A_160 = vector.shape_cast %slice3A_159 : vector<1x1024x128xf32> to vector<1024x128xf32>
    %dot_general3A_161 = arith.constant dense<0.000000e+00> : vector<64x1024xf32>
    %dot_general3A_162 = tpu.matmul %get3A_18, %squeeze3A_160, %dot_general3A_161 {dimension_numbers = #tpu.dot_dimension_numbers<[1], [1], [0], [0], [0, 0, 1, 0], [], []>, transpose_lhs_hint = false} : vector<64x128xf32>, vector<1024x128xf32>, vector<64x1024xf32> -> vector<64x1024xf32>
    %slice3A_163 = vector.extract_strided_slice %get3A_5 {offsets = [4, 0, 0], sizes = [1, 1, 1024], strides = [1, 1, 1]} : vector<8x1x1024xf32> to vector<1x1x1024xf32>
    %squeeze3A_164 = vector.shape_cast %slice3A_163 : vector<1x1x1024xf32> to vector<1x1024xf32>
    %sub3A_165 = arith.subf %dot_general3A_162, %dot_general3A_158 : vector<64x1024xf32>
    %mul3A_166 = vector.broadcast %squeeze3A_164 : vector<1x1024xf32> to vector<64x1024xf32>
    %mul3A_167 = arith.mulf %mul3A_166, %sub3A_165 : vector<64x1024xf32>
    %add3A_168 = arith.addf %dot_general3A_158, %mul3A_167 : vector<64x1024xf32>
    %get3A_169 = arith.constant 0 : index
    %get3A_170 = arith.constant 4 : index
    %get3A_171 = arith.constant 0 : index
    %get3A_172 = vector.load %arg3[%get3A_169, %get3A_170, %get3A_171] : memref<7x8x1024xf32, #tpu.memory_space<vmem>>, vector<7x1x1024xf32>
    %get3A_173 = vector.shape_cast %get3A_172 : vector<7x1x1024xf32> to vector<7x1024xf32>
    %dot_general3A_174 = arith.constant dense<0.000000e+00> : vector<64x1024xf32>
    %dot_general3A_175 = tpu.matmul %get3A_8, %get3A_173, %dot_general3A_174 {dimension_numbers = #tpu.dot_dimension_numbers<[0], [0], [1], [1], [0, 1, 1, 1], [], []>, transpose_lhs_hint = false} : vector<7x64xf32>, vector<7x1024xf32>, vector<64x1024xf32> -> vector<64x1024xf32>
    %add3A_176 = arith.addf %add3A_168, %dot_general3A_175 : vector<64x1024xf32>
    %get3A_177 = arith.constant 0 : index
    %get3A_178 = arith.constant 0 : index
    %get3A_179 = arith.constant 4 : index
    %get3A_180 = vector.load %arg4[%get3A_177, %get3A_178, %get3A_179] : memref<1x64x8xf32, #tpu.memory_space<vmem>>, vector<1x64x1xf32>
    %get3A_181 = vector.shape_cast %get3A_180 : vector<1x64x1xf32> to vector<64xf32>
    %broadcast_in_dim3A_182 = vector.shape_cast %get3A_181 : vector<64xf32> to vector<64x1xf32>
    %add3A_183 = vector.broadcast %broadcast_in_dim3A_182 : vector<64x1xf32> to vector<64x1024xf32>
    %add3A_184 = arith.addf %add3A_176, %add3A_183 : vector<64x1024xf32>
    %swap3A_185 = arith.constant 4 : index
    %swap3A_186 = arith.constant 0 : index
    %swap3A_187 = arith.constant 0 : index
    %swap3A_188 = vector.load %arg7[%swap3A_185, %swap3A_186, %swap3A_187] : memref<8x64x1024xf32, #tpu.memory_space<vmem>>, vector<1x64x1024xf32>
    %swap3A_189 = vector.shape_cast %swap3A_188 : vector<1x64x1024xf32> to vector<64x1024xf32>
    %swap3A_190 = vector.shape_cast %add3A_184 : vector<64x1024xf32> to vector<1x64x1024xf32>
    tpu.vector_store %arg7[%swap3A_185, %swap3A_186, %swap3A_187], %swap3A_190 {strides = array<i32>} : memref<8x64x1024xf32, #tpu.memory_space<vmem>>, vector<1x64x1024xf32>,
    %slice3A_191 = vector.extract_strided_slice %reshape3A {offsets = [5, 0, 0], sizes = [1, 1024, 128], strides = [1, 1, 1]} : vector<8x1024x128xf32> to vector<1x1024x128xf32>
    %squeeze3A_192 = vector.shape_cast %slice3A_191 : vector<1x1024x128xf32> to vector<1024x128xf32>
    %dot_general3A_193 = arith.constant dense<0.000000e+00> : vector<64x1024xf32>
    %dot_general3A_194 = tpu.matmul %get3A_13, %squeeze3A_192, %dot_general3A_193 {dimension_numbers = #tpu.dot_dimension_numbers<[1], [1], [0], [0], [0, 0, 1, 0], [], []>, transpose_lhs_hint = false} : vector<64x128xf32>, vector<1024x128xf32>, vector<64x1024xf32> -> vector<64x1024xf32>
    %slice3A_195 = vector.extract_strided_slice %reshape3A {offsets = [5, 0, 0], sizes = [1, 1024, 128], strides = [1, 1, 1]} : vector<8x1024x128xf32> to vector<1x1024x128xf32>
    %squeeze3A_196 = vector.shape_cast %slice3A_195 : vector<1x1024x128xf32> to vector<1024x128xf32>
    %dot_general3A_197 = arith.constant dense<0.000000e+00> : vector<64x1024xf32>
    %dot_general3A_198 = tpu.matmul %get3A_18, %squeeze3A_196, %dot_general3A_197 {dimension_numbers = #tpu.dot_dimension_numbers<[1], [1], [0], [0], [0, 0, 1, 0], [], []>, transpose_lhs_hint = false} : vector<64x128xf32>, vector<1024x128xf32>, vector<64x1024xf32> -> vector<64x1024xf32>
    %slice3A_199 = vector.extract_strided_slice %get3A_5 {offsets = [5, 0, 0], sizes = [1, 1, 1024], strides = [1, 1, 1]} : vector<8x1x1024xf32> to vector<1x1x1024xf32>
    %squeeze3A_200 = vector.shape_cast %slice3A_199 : vector<1x1x1024xf32> to vector<1x1024xf32>
    %sub3A_201 = arith.subf %dot_general3A_198, %dot_general3A_194 : vector<64x1024xf32>
    %mul3A_202 = vector.broadcast %squeeze3A_200 : vector<1x1024xf32> to vector<64x1024xf32>
    %mul3A_203 = arith.mulf %mul3A_202, %sub3A_201 : vector<64x1024xf32>
    %add3A_204 = arith.addf %dot_general3A_194, %mul3A_203 : vector<64x1024xf32>
    %get3A_205 = arith.constant 0 : index
    %get3A_206 = arith.constant 5 : index
    %get3A_207 = arith.constant 0 : index
    %get3A_208 = vector.load %arg3[%get3A_205, %get3A_206, %get3A_207] : memref<7x8x1024xf32, #tpu.memory_space<vmem>>, vector<7x1x1024xf32>
    %get3A_209 = vector.shape_cast %get3A_208 : vector<7x1x1024xf32> to vector<7x1024xf32>
    %dot_general3A_210 = arith.constant dense<0.000000e+00> : vector<64x1024xf32>
    %dot_general3A_211 = tpu.matmul %get3A_8, %get3A_209, %dot_general3A_210 {dimension_numbers = #tpu.dot_dimension_numbers<[0], [0], [1], [1], [0, 1, 1, 1], [], []>, transpose_lhs_hint = false} : vector<7x64xf32>, vector<7x1024xf32>, vector<64x1024xf32> -> vector<64x1024xf32>
    %add3A_212 = arith.addf %add3A_204, %dot_general3A_211 : vector<64x1024xf32>
    %get3A_213 = arith.constant 0 : index
    %get3A_214 = arith.constant 0 : index
    %get3A_215 = arith.constant 5 : index
    %get3A_216 = vector.load %arg4[%get3A_213, %get3A_214, %get3A_215] : memref<1x64x8xf32, #tpu.memory_space<vmem>>, vector<1x64x1xf32>
    %get3A_217 = vector.shape_cast %get3A_216 : vector<1x64x1xf32> to vector<64xf32>
    %broadcast_in_dim3A_218 = vector.shape_cast %get3A_217 : vector<64xf32> to vector<64x1xf32>
    %add3A_219 = vector.broadcast %broadcast_in_dim3A_218 : vector<64x1xf32> to vector<64x1024xf32>
    %add3A_220 = arith.addf %add3A_212, %add3A_219 : vector<64x1024xf32>
    %swap3A_221 = arith.constant 5 : index
    %swap3A_222 = arith.constant 0 : index
    %swap3A_223 = arith.constant 0 : index
    %swap3A_224 = vector.load %arg7[%swap3A_221, %swap3A_222, %swap3A_223] : memref<8x64x1024xf32, #tpu.memory_space<vmem>>, vector<1x64x1024xf32>
    %swap3A_225 = vector.shape_cast %swap3A_224 : vector<1x64x1024xf32> to vector<64x1024xf32>
    %swap3A_226 = vector.shape_cast %add3A_220 : vector<64x1024xf32> to vector<1x64x1024xf32>
    tpu.vector_store %arg7[%swap3A_221, %swap3A_222, %swap3A_223], %swap3A_226 {strides = array<i32>} : memref<8x64x1024xf32, #tpu.memory_space<vmem>>, vector<1x64x1024xf32>,
    %slice3A_227 = vector.extract_strided_slice %reshape3A {offsets = [6, 0, 0], sizes = [1, 1024, 128], strides = [1, 1, 1]} : vector<8x1024x128xf32> to vector<1x1024x128xf32>
    %squeeze3A_228 = vector.shape_cast %slice3A_227 : vector<1x1024x128xf32> to vector<1024x128xf32>
    %dot_general3A_229 = arith.constant dense<0.000000e+00> : vector<64x1024xf32>
    %dot_general3A_230 = tpu.matmul %get3A_13, %squeeze3A_228, %dot_general3A_229 {dimension_numbers = #tpu.dot_dimension_numbers<[1], [1], [0], [0], [0, 0, 1, 0], [], []>, transpose_lhs_hint = false} : vector<64x128xf32>, vector<1024x128xf32>, vector<64x1024xf32> -> vector<64x1024xf32>
    %slice3A_231 = vector.extract_strided_slice %reshape3A {offsets = [6, 0, 0], sizes = [1, 1024, 128], strides = [1, 1, 1]} : vector<8x1024x128xf32> to vector<1x1024x128xf32>
    %squeeze3A_232 = vector.shape_cast %slice3A_231 : vector<1x1024x128xf32> to vector<1024x128xf32>
    %dot_general3A_233 = arith.constant dense<0.000000e+00> : vector<64x1024xf32>
    %dot_general3A_234 = tpu.matmul %get3A_18, %squeeze3A_232, %dot_general3A_233 {dimension_numbers = #tpu.dot_dimension_numbers<[1], [1], [0], [0], [0, 0, 1, 0], [], []>, transpose_lhs_hint = false} : vector<64x128xf32>, vector<1024x128xf32>, vector<64x1024xf32> -> vector<64x1024xf32>
    %slice3A_235 = vector.extract_strided_slice %get3A_5 {offsets = [6, 0, 0], sizes = [1, 1, 1024], strides = [1, 1, 1]} : vector<8x1x1024xf32> to vector<1x1x1024xf32>
    %squeeze3A_236 = vector.shape_cast %slice3A_235 : vector<1x1x1024xf32> to vector<1x1024xf32>
    %sub3A_237 = arith.subf %dot_general3A_234, %dot_general3A_230 : vector<64x1024xf32>
    %mul3A_238 = vector.broadcast %squeeze3A_236 : vector<1x1024xf32> to vector<64x1024xf32>
    %mul3A_239 = arith.mulf %mul3A_238, %sub3A_237 : vector<64x1024xf32>
    %add3A_240 = arith.addf %dot_general3A_230, %mul3A_239 : vector<64x1024xf32>
    %get3A_241 = arith.constant 0 : index
    %get3A_242 = arith.constant 6 : index
    %get3A_243 = arith.constant 0 : index
    %get3A_244 = vector.load %arg3[%get3A_241, %get3A_242, %get3A_243] : memref<7x8x1024xf32, #tpu.memory_space<vmem>>, vector<7x1x1024xf32>
    %get3A_245 = vector.shape_cast %get3A_244 : vector<7x1x1024xf32> to vector<7x1024xf32>
    %dot_general3A_246 = arith.constant dense<0.000000e+00> : vector<64x1024xf32>
    %dot_general3A_247 = tpu.matmul %get3A_8, %get3A_245, %dot_general3A_246 {dimension_numbers = #tpu.dot_dimension_numbers<[0], [0], [1], [1], [0, 1, 1, 1], [], []>, transpose_lhs_hint = false} : vector<7x64xf32>, vector<7x1024xf32>, vector<64x1024xf32> -> vector<64x1024xf32>
    %add3A_248 = arith.addf %add3A_240, %dot_general3A_247 : vector<64x1024xf32>
    %get3A_249 = arith.constant 0 : index
    %get3A_250 = arith.constant 0 : index
    %get3A_251 = arith.constant 6 : index
    %get3A_252 = vector.load %arg4[%get3A_249, %get3A_250, %get3A_251] : memref<1x64x8xf32, #tpu.memory_space<vmem>>, vector<1x64x1xf32>
    %get3A_253 = vector.shape_cast %get3A_252 : vector<1x64x1xf32> to vector<64xf32>
    %broadcast_in_dim3A_254 = vector.shape_cast %get3A_253 : vector<64xf32> to vector<64x1xf32>
    %add3A_255 = vector.broadcast %broadcast_in_dim3A_254 : vector<64x1xf32> to vector<64x1024xf32>
    %add3A_256 = arith.addf %add3A_248, %add3A_255 : vector<64x1024xf32>
    %swap3A_257 = arith.constant 6 : index
    %swap3A_258 = arith.constant 0 : index
    %swap3A_259 = arith.constant 0 : index
    %swap3A_260 = vector.load %arg7[%swap3A_257, %swap3A_258, %swap3A_259] : memref<8x64x1024xf32, #tpu.memory_space<vmem>>, vector<1x64x1024xf32>
    %swap3A_261 = vector.shape_cast %swap3A_260 : vector<1x64x1024xf32> to vector<64x1024xf32>
    %swap3A_262 = vector.shape_cast %add3A_256 : vector<64x1024xf32> to vector<1x64x1024xf32>
    tpu.vector_store %arg7[%swap3A_257, %swap3A_258, %swap3A_259], %swap3A_262 {strides = array<i32>} : memref<8x64x1024xf32, #tpu.memory_space<vmem>>, vector<1x64x1024xf32>,
    %slice3A_263 = vector.extract_strided_slice %reshape3A {offsets = [7, 0, 0], sizes = [1, 1024, 128], strides = [1, 1, 1]} : vector<8x1024x128xf32> to vector<1x1024x128xf32>
    %squeeze3A_264 = vector.shape_cast %slice3A_263 : vector<1x1024x128xf32> to vector<1024x128xf32>
    %dot_general3A_265 = arith.constant dense<0.000000e+00> : vector<64x1024xf32>
    %dot_general3A_266 = tpu.matmul %get3A_13, %squeeze3A_264, %dot_general3A_265 {dimension_numbers = #tpu.dot_dimension_numbers<[1], [1], [0], [0], [0, 0, 1, 0], [], []>, transpose_lhs_hint = false} : vector<64x128xf32>, vector<1024x128xf32>, vector<64x1024xf32> -> vector<64x1024xf32>
    %slice3A_267 = vector.extract_strided_slice %reshape3A {offsets = [7, 0, 0], sizes = [1, 1024, 128], strides = [1, 1, 1]} : vector<8x1024x128xf32> to vector<1x1024x128xf32>
    %squeeze3A_268 = vector.shape_cast %slice3A_267 : vector<1x1024x128xf32> to vector<1024x128xf32>
    %dot_general3A_269 = arith.constant dense<0.000000e+00> : vector<64x1024xf32>
    %dot_general3A_270 = tpu.matmul %get3A_18, %squeeze3A_268, %dot_general3A_269 {dimension_numbers = #tpu.dot_dimension_numbers<[1], [1], [0], [0], [0, 0, 1, 0], [], []>, transpose_lhs_hint = false} : vector<64x128xf32>, vector<1024x128xf32>, vector<64x1024xf32> -> vector<64x1024xf32>
    %slice3A_271 = vector.extract_strided_slice %get3A_5 {offsets = [7, 0, 0], sizes = [1, 1, 1024], strides = [1, 1, 1]} : vector<8x1x1024xf32> to vector<1x1x1024xf32>
    %squeeze3A_272 = vector.shape_cast %slice3A_271 : vector<1x1x1024xf32> to vector<1x1024xf32>
    %sub3A_273 = arith.subf %dot_general3A_270, %dot_general3A_266 : vector<64x1024xf32>
    %mul3A_274 = vector.broadcast %squeeze3A_272 : vector<1x1024xf32> to vector<64x1024xf32>
    %mul3A_275 = arith.mulf %mul3A_274, %sub3A_273 : vector<64x1024xf32>
    %add3A_276 = arith.addf %dot_general3A_266, %mul3A_275 : vector<64x1024xf32>
    %get3A_277 = arith.constant 0 : index
    %get3A_278 = arith.constant 7 : index
    %get3A_279 = arith.constant 0 : index
    %get3A_280 = vector.load %arg3[%get3A_277, %get3A_278, %get3A_279] : memref<7x8x1024xf32, #tpu.memory_space<vmem>>, vector<7x1x1024xf32>
    %get3A_281 = vector.shape_cast %get3A_280 : vector<7x1x1024xf32> to vector<7x1024xf32>
    %dot_general3A_282 = arith.constant dense<0.000000e+00> : vector<64x1024xf32>
    %dot_general3A_283 = tpu.matmul %get3A_8, %get3A_281, %dot_general3A_282 {dimension_numbers = #tpu.dot_dimension_numbers<[0], [0], [1], [1], [0, 1, 1, 1], [], []>, transpose_lhs_hint = false} : vector<7x64xf32>, vector<7x1024xf32>, vector<64x1024xf32> -> vector<64x1024xf32>
    %add3A_284 = arith.addf %add3A_276, %dot_general3A_283 : vector<64x1024xf32>
    %get3A_285 = arith.constant 0 : index
    %get3A_286 = arith.constant 0 : index
    %get3A_287 = arith.constant 7 : index
    %get3A_288 = vector.load %arg4[%get3A_285, %get3A_286, %get3A_287] : memref<1x64x8xf32, #tpu.memory_space<vmem>>, vector<1x64x1xf32>
    %get3A_289 = vector.shape_cast %get3A_288 : vector<1x64x1xf32> to vector<64xf32>
    %broadcast_in_dim3A_290 = vector.shape_cast %get3A_289 : vector<64xf32> to vector<64x1xf32>
    %add3A_291 = vector.broadcast %broadcast_in_dim3A_290 : vector<64x1xf32> to vector<64x1024xf32>
    %add3A_292 = arith.addf %add3A_284, %add3A_291 : vector<64x1024xf32>
    %swap3A_293 = arith.constant 7 : index
    %swap3A_294 = arith.constant 0 : index
    %swap3A_295 = arith.constant 0 : index
    %swap3A_296 = vector.load %arg7[%swap3A_293, %swap3A_294, %swap3A_295] : memref<8x64x1024xf32, #tpu.memory_space<vmem>>, vector<1x64x1024xf32>
    %swap3A_297 = vector.shape_cast %swap3A_296 : vector<1x64x1024xf32> to vector<64x1024xf32>
    %swap3A_298 = vector.shape_cast %add3A_292 : vector<64x1024xf32> to vector<1x64x1024xf32>
    tpu.vector_store %arg7[%swap3A_293, %swap3A_294, %swap3A_295], %swap3A_298 {strides = array<i32>} : memref<8x64x1024xf32, #tpu.memory_space<vmem>>, vector<1x64x1024xf32>,
    return
  }
  func.func @transform_0(%arg0: i32) -> (i32, i32) {
    %c0_i32 = arith.constant 0 : i32
    %c0_i32_0 = arith.constant 0 : i32
    return %arg0, %c0_i32 : i32, i32
  }
  func.func @transform_1(%arg0: i32) -> (i32, i32, i32) {
    %c0_i32 = arith.constant 0 : i32
    %c0_i32_0 = arith.constant 0 : i32
    %c0_i32_1 = arith.constant 0 : i32
    return %arg0, %c0_i32, %c0_i32_0 : i32, i32, i32
  }
  func.func @transform_2(%arg0: i32) -> (i32, i32, i32) {
    %c0_i32 = arith.constant 0 : i32
    %c0_i32_0 = arith.constant 0 : i32
    %c0_i32_1 = arith.constant 0 : i32
    return %c0_i32, %arg0, %c0_i32_0 : i32, i32, i32
  }
  func.func @transform_3(%arg0: i32) -> (i32, i32, i32) {
    %c0_i32 = arith.constant 0 : i32
    %c0_i32_0 = arith.constant 0 : i32
    %c0_i32_1 = arith.constant 0 : i32
    return %arg0, %c0_i32, %c0_i32_0 : i32, i32, i32
  }
  func.func @transform_4(%arg0: i32) -> (i32, i32) {
    %c0_i32 = arith.constant 0 : i32
    %c0_i32_0 = arith.constant 0 : i32
    %c0_i32_1 = arith.constant 0 : i32
    return %c0_i32, %c0_i32_0 : i32, i32
  }
  func.func @transform_5(%arg0: i32) -> (i32, i32, i32) {
    %c0_i32 = arith.constant 0 : i32
    %c0_i32_0 = arith.constant 0 : i32
    %c0_i32_1 = arith.constant 0 : i32
    %c0_i32_2 = arith.constant 0 : i32
    return %c0_i32, %c0_i32_0, %c0_i32_1 : i32, i32, i32
  }
  func.func @transform_6(%arg0: i32) -> (i32, i32, i32) {
    %c0_i32 = arith.constant 0 : i32
    %c0_i32_0 = arith.constant 0 : i32
    %c0_i32_1 = arith.constant 0 : i32
    return %arg0, %c0_i32, %c0_i32_0 : i32, i32, i32
  }
}

</mosaic_0001>

<sc_bundles>
// kernel: kernel.6.cloned.1.call-start
scs
__scs_entry_jumppad:
0x0: {  	(pc) =	sbr.rel $0x88, $3  }
0x1: {  	(tag) =	ssettag $0x0;
	lr =	simm.s32 $0x1  }
0x2: {  	[smem:$0x3F99] =	sst lr;
	_ =	strace $0xD0000000  }
0x3: {  	_ = 	snop  }
0x4: {  	_ = 	snop  }
0x5: {  	_ = 	snop  }
0x6: {  	_ = 	snop  }
0x7: {  	_ = 	snop  }
__scs_overlays_trampoline_lowered:
0x8: {  	[smem:$0x3FA8] =	sst s0  }
0x9: {  	[smem:$0x3FA9] =	sst s1  }
0xa: {  	[smem:$0x3FAA] =	sst s2  }
0xb: {  	[smem:$0x3FAB] =	sst s3  }
0xc: {  	[smem:$0x3FAC] =	sst s4  }
0xd: {  	[smem:$0x3FAD] =	sst s5  }
0xe: {  	[smem:$0x3FAE] =	sst s6  }
0xf: {  	[smem:$0x3FAF] =	sst s7  }
0x10: {  	[smem:$0x3FB0] =	sst s8  }
0x11: {  	[smem:$0x3FB1] =	sst s9;
	s0 =	simm.s32 @!p0 $0x0  }
0x12: {  	s1 =	sld [smem:$0x3F97];
	s0 =	simm.s32 @p0 $0x1  }
0x13: {  	[smem:$0x3FB2] =	sst s0;
	s0 =	simm.s32 @!p1 $0x0  }
0x14: {  	s2 =	sld [smem:$0x3F96];
	s0 =	simm.s32 @p1 $0x1  }
0x15: {  	[smem:$0x3FB3] =	sst s0;
	s0 =	simm.s32 @!p2 $0x0  }
0x16: {  	s3 =	sld [smem:$0x3FDB];
	s0 =	simm.s32 @p2 $0x1  }
0x17: {  	s4 =	simm.s32 $0x1BF5;
	[smem:$0x3FB5] =	sst s0  }
0x18: {  	s0 =	sld [smem:$0x3F98];
	_ =	swait.ge [sflag:s4], $0x0  }
0x19: {  	s7 =	sld [smem:$0x3F99]  }
0x1a: {  	s8 =	sadd.s32 $0xFFFFE003, lr  }
0x1b: {  	s9 =	sadd.s32 $0xFFFFFEF7, lr;
	s5 =	simm.s32 $0xFFFFFFFF;
	p2 =	slt.u32 s8, $0xFFFFF086  }
0x1c: {  	p1 =	slt.u32 s9, $0xF7A;
	s5 =	simm.s32 @!p2 $0x0  }
0x1d: {  	s5 =	simm.s32 @p1 $0x1;
	p0 =	seq.s32 s7, s2  }
0x1e: {  	s7 =	smul.u32 @!p0 $0xF7A, s2;
	p2 =	seq.s32 @!p0 s5, $0x0  }
0x1f: {  	s9 =	smul.u32 $0xF7A, s1;
	s8 =	simm.s32 @!p0 $0x1BF5;
	p2 =	por !p2, p0  }
0x20: {  	[sflag:s8] =	ssyncset.s32 @!p0 $0xFFFFF086;
	s6 =	sadd.s32 @!p0 s3, s7;
	s7 =	simm.s32 @!p0 $0x108  }
0x21: {  	s3 =	sadd.s32 s3, s9;
	s6 =	sadd.s32 @!p0 $0x88, s6;
	s7 =	simm.s32 @p2 $0x1082  }
0x22: {  	[simem:s7], [sflag:s8] =	dma.local @!p0 [hbm:s6], $0xF7A  }
0x23: {  	s9 =	sor.u32 $0xD0000000, s2;
	s6 =	simm.s32 $0x108;
	_ =	swait.ge @!p0 [sflag:s8], $0x0  }
0x24: {  	s3 =	sadd.s32 $0x88, s3;
	s6 =	simm.s32 @!p1 $0x1082;
	[sflag:s4] =	ssyncset.s32 $0xFFFFF086  }
0x25: {  	[simem:s6], [sflag:s4] =	dma.local [hbm:s3], $0xF7A  }
0x26: {  	[smem:$0x3F99] =	sst s1;
	(tag) =	ssettag s2;
	_ =	strace s9  }
0x27: {  	s1 =	sld [smem:$0x3FA9]  }
0x28: {  	s2 =	sld [smem:$0x3FAA]  }
0x29: {  	s4 =	sld [smem:$0x3FAC]  }
0x2a: {  	p0 =	seq.s32 s5, $0x0;
	s5 =	sld [smem:$0x3FAD]  }
0x2b: {  	s6 =	sld [smem:$0x3FAE]  }
0x2c: {  	s7 =	sld [smem:$0x3FAF]  }
0x2d: {  	s3 =	simm.s32 $0x108;
	s8 =	sld [smem:$0x3FB0]  }
0x2e: {  	s3 =	simm.s32 @!p0 $0x1082;
	s9 =	sld [smem:$0x3FB1]  }
0x2f: {  	lr =	sadd.s32 s0, s3;
	s0 =	sld [smem:$0x3FA8]  }
0x30: {  	s3 =	sld [smem:$0x3FAB]  }
0x31: {  	[smem:$0x3FB4] =	sst s10  }
0x32: {  	s10 =	sld [smem:$0x3FB2];
	_ =	sdelay $0x3  }
0x33: {  	p0 =	seq.s32 s10, $0x1;
	s10 =	sld [smem:$0x3FB4];
	_ =	sdelay $0x3  }
0x34: {  	[smem:$0x3FB4] =	sst s10  }
0x35: {  	s10 =	sld [smem:$0x3FB3];
	_ =	sdelay $0x3  }
0x36: {  	p1 =	seq.s32 s10, $0x1;
	s10 =	sld [smem:$0x3FB4];
	_ =	sdelay $0x3  }
0x37: {  	[smem:$0x3FB4] =	sst s10  }
0x38: {  	s10 =	sld [smem:$0x3FB5]  }
0x39: {  	_ = 	snop;
	(pc) =	sbr.ind lr, $3  }
0x3a: {  	_ = 	snop  }
0x3b: {  	_ = 	snop  }
0x3c: {  	p2 =	seq.s32 s10, $0x1;
	s10 =	sld [smem:$0x3FB4]  }
0x3d: {  	_ =	shalt  }
0x3e: {  	_ =	shalt  }
0x3f: {  	_ =	shalt  }
0x40: {  	_ =	shalt  }
0x41: {  	_ =	shalt  }
0x42: {  	_ =	shalt  }
0x43: {  	_ =	shalt  }
0x44: {  	_ =	shalt  }
0x45: {  	_ =	shalt  }
0x46: {  	_ =	shalt  }
0x47: {  	_ =	shalt  }
0x48: {  	_ =	shalt  }
0x49: {  	_ =	shalt  }
0x4a: {  	_ =	shalt  }
0x4b: {  	_ =	shalt  }
0x4c: {  	_ =	shalt  }
0x4d: {  	_ =	shalt  }
0x4e: {  	_ =	shalt  }
0x4f: {  	_ =	shalt  }
0x50: {  	_ =	shalt  }
0x51: {  	_ =	shalt  }
0x52: {  	_ =	shalt  }
0x53: {  	_ =	shalt  }
0x54: {  	_ =	shalt  }
0x55: {  	_ =	shalt  }
0x56: {  	_ =	shalt  }
0x57: {  	_ =	shalt  }
0x58: {  	_ =	shalt  }
0x59: {  	_ =	shalt  }
0x5a: {  	_ =	shalt  }
0x5b: {  	_ =	shalt  }
0x5c: {  	_ =	shalt  }
0x5d: {  	_ =	shalt  }
0x5e: {  	_ =	shalt  }
0x5f: {  	_ =	shalt  }
0x60: {  	_ =	shalt  }
0x61: {  	_ =	shalt  }
0x62: {  	_ =	shalt  }
0x63: {  	_ =	shalt  }
0x64: {  	_ =	shalt  }
0x65: {  	_ =	shalt  }
0x66: {  	_ =	shalt  }
0x67: {  	_ =	shalt  }
0x68: {  	_ =	shalt  }
0x69: {  	_ =	shalt  }
0x6a: {  	_ =	shalt  }
0x6b: {  	_ =	shalt  }
0x6c: {  	_ =	shalt  }
0x6d: {  	_ =	shalt  }
0x6e: {  	_ =	shalt  }
0x6f: {  	_ =	shalt  }
0x70: {  	_ =	shalt  }
0x71: {  	_ =	shalt  }
0x72: {  	_ =	shalt  }
0x73: {  	_ =	shalt  }
0x74: {  	_ =	shalt  }
0x75: {  	_ =	shalt  }
0x76: {  	_ =	shalt  }
0x77: {  	_ =	shalt  }
0x78: {  	_ =	shalt  }
0x79: {  	_ =	shalt  }
0x7a: {  	_ =	shalt  }
0x7b: {  	_ =	shalt  }
0x7c: {  	_ =	shalt  }
0x7d: {  	_ =	shalt  }
0x7e: {  	_ =	shalt  }
0x7f: {  	_ =	shalt  }
0x80: {  	_ =	shalt  }
0x81: {  	_ =	shalt  }
0x82: {  	_ =	shalt  }
0x83: {  	_ =	shalt  }
0x84: {  	_ =	shalt  }
0x85: {  	_ =	shalt  }
0x86: {  	_ =	shalt  }
0x87: {  	_ =	shalt  }
.Lfunc_end0:
.L_simem_size_0:
called_computation_lowered:
.L_overlay_start_0:
0x88: {  	s2 =	sld [smem:$0x3FD9]  }
0x89: {  	s3 =	sld [smem:$0x3FFE];
	_ =	sdelay $0x1  }
0x8a: {  	s1 =	srdreg.scid  }
0x8b: {  	s0 =	sand.u32 $0x1, s1  }
0x8c: {  	s14 =	sshll.u32 s0, $0xA;
	s2 =	sadd.s32 s3, s2  }
0x8d: {  	s2 =	sadd.s32 s2, s14  }
0x8e: {  	[smem:$0x3FC0] =	sst s2  }
0x8f: {  	_ = 	snop  }
0x90: {  	s2 =	sld [smem:$0x3FD0];
	_ =	sdelay $0x2  }
0x91: {  	s15 =	simm.s32 $0xA;
	s4 =	simm.s32 $0x10  }
0x92: {  	[smem:s4], [sflag:s15] =	dma.local [hbm:s2], $0x1  }
0x93: {  	_ =	swait.eq [sflag:s15], $0x1  }
0x94: {  	[sflag:s15] =	ssyncset.done $0x0  }
0x95: {  	[sflag:s15] =	ssyncadd.s32 $0xFFFFFFFF  }
0x96: {  	s16 =	sld [smem:$0x10];
	(tm) =	ssettm $0x1  }
0x97: {  	s17 =	sld [smem:$0x3FFB];
	_ =	sdelay $0x3  }
0x98: {  	_ =	strace s17  }
0x99: {  	s3 =	sld [smem:$0x3FFC];
	_ =	sdelay $0x3  }
0x9a: {  	_ =	strace s3  }
0x9b: {  	s3 =	sld [smem:$0x3FFD];
	_ =	sdelay $0x3  }
0x9c: {  	_ =	strace s3  }
0x9d: {  	_ =	strace $0x8FFFFFFF  }
0x9e: {  	s18 =	sld [smem:$0x3FDB];
	_ =	sdelay $0x1  }
0x9f: {  	s19 =	simm.s32 $_scs_section_size  }
0xa0: {  	s5 =	simm.s32 $_size__tile_overlayer_lowered;
	s6 =	simm.s32 $_tile_overlayer_lowered  }
0xa1: {  	s22 =	simm.s32 $0x1BFF;
	s21 =	sshll.u32 s6, $0x1;
	s3 =	sadd.s32 s19, s18  }
0xa2: {  	s7 =	simm.s32 $0x0;
	s20 =	sshll.u32 s5, $0x1;
	s5 =	sadd.s32 s21, s3  }
0xa3: {  	[timem:s7], [sflag:s22] =	dma.local [hbm:s5], s20  }
0xa4: {  	_ =	swait.ge [sflag:s22], s20  }
0xa5: {  	s4 =	ssub.s32 $0x0, s20;
	[sflag:s22] =	ssyncset.done $0x0  }
0xa6: {  	[sflag:s22] =	ssyncadd.s32 s4;
	_ =	sdelay $0x1  }
0xa7: {  	s23 =	simm.s32 $0x1B8B  }
0xa8: {  	_ =	swait.ge [sflag:s23], $0x1  }
0xa9: {  	[sflag:s23] =	ssyncset.done $0x0  }
0xaa: {  	s25 =	simm.s32 $0x1B8E;
	s24 =	sld [smem:$0x3FFE];
	[sflag:s23] =	ssyncadd.s32 $0xFFFFFFFF  }
0xab: {  	s26 =	simm.s32 $execute0_lowered;
	[smem:$0x3FD2] =	sst s25  }
0xac: {  	s5 =	sshll.u32 s26, $0x1;
	_ =	strace $0x80000046;
	[dreg:$0x1] =	wrdreg $0xFFFFFFFF  }
0xad: {  	s28 =	simm.s32 $_size_execute0_lowered;
	s3 =	sadd.s32 s3, s5;
	[dreg:$0x0] =	wrdreg $0x0  }
0xae: {  	s5 =	sshll.u32 s28, $0x1;
	[dreg:$0x2] =	wrdreg s3  }
0xaf: {  	[dreg:$0x3] =	wrdreg s5  }
0xb0: {  	[dreg:$0x4] =	wrdreg $0xC0  }
0xb1: {  	_ =	task [dreg:s7], $0x5FFFF  }
0xb2: {  	[dreg:$0x1] =	wrdreg $0xFFFFFFFF  }
0xb3: {  	[dreg:$0x0] =	wrdreg $0x60  }
0xb4: {  	[dreg:$0x2] =	wrdreg s16  }
0xb5: {  	[dreg:$0x3] =	wrdreg s24  }
0xb6: {  	[dreg:$0x4] =	wrdreg $0x9  }
0xb7: {  	_ =	task.clear_ibuf [dreg:s7], $0x5FFFF;
	_ =	strace $0x90000046  }
0xb8: {  	s29 =	simm.s32 $0x9;
	_ =	strace $0x80000048  }
0xb9: {  	_ =	swait.ge [sflag:s29], $0x1  }
0xba: {  	[sflag:s29] =	ssyncadd.s32 $0xFFFFFFFF  }
0xbb: {  	_ =	strace $0x90000048  }
0xbc: {  	_ =	sfence  }
0xbd: {  	s30 =	sld [smem:$0x0];
	_ =	sdelay $0x2  }
0xbe: {  	s31 =	sshll.u32 s1, $0xD;
	s1 =	sshrl.u32 s1, $0x2  }
0xbf: {  	s3 =	sand.u32 $0x4000, s31;
	s1 =	sadd.s32 s1, s30  }
0xc0: {  	s0 =	sor.u32 s3, s0;
	s1 =	sshll.u32 s1, $0x11  }
0xc1: {  	s0 =	sor.u32 s1, s0  }
0xc2: {  	s0 =	sadd.s32 $0x8F2B, s0  }
0xc3: {  	[sflag:s0] =	ssyncadd.remote.s32 $0x1  }
0xc4: {  	_ =	sfence.sel $0xFFFF  }
0xc5: {  	[dreg:$0x0] =	wrdreg $0xFFFFFFFF;
	(pc) =	sbr.abs _section_cstart, $3  }
0xc6: {  	[dreg:$0x1] =	wrdreg $0xFFFFFFFF  }
0xc7: {  	_ =	task.clear_ibuf [dreg:s7], $0x2FFFF;
	_ =	strace $0x9FFFFFFF  }
0xc8: {  	(tm) =	ssettm $0x7FFFFFFF  }
0xc9: {  	_ =	shalt  }
tec
execute0_lowered:
.L_overlay_start_1:
0x0: {  	(tag) =	ssettag $0x1  }
0x1: {  	s0 =	rddreg [dreg:$0x0]  }
0x2: {  	s1 =	rddreg [dreg:$0x1]  }
0x3: {  	s3 =	srdreg.scid;
	s9 =	stileid.u32;
	s2 =	simm.s32 $0x0  }
0x4: {  	s10 =	simm.s32 $0x40;
	s11 =	simm.s32 $0x1900;
	s12 =	simm.s32 $0x3900  }
0x5: {  	s14 =	simm.s32 $0x5900;
	s16 =	simm.s32 $0x7900;
	s18 =	simm.s32 $0x9900  }
0x6: {  	s19 =	simm.s32 $0x1;
	s20 =	simm.s32 $0xB900;
	s21 =	simm.s32 $0xD900  }
0x7: {  	s22 =	simm.s32 $0xF900;
	s23 =	simm.s32 $0x11900;
	s29 =	simm.s32 $0x1800  }
0x8: {  	s30 =	simm.s32 $0x1840;
	s31 =	simm.s32 $0x1880;
	s5 =	sand.u32 $0x1, s3  }
0x9: {  	s24 =	sshll.u32 s9, $0x1;
	[smem:$0x7FF] =	sst s2;
	s9 =	smul.u32 $0x32000, s9  }
0xa: {  	s3 =	sadd.s32 $0x1400, s1;
	s4 =	sor.u32 s5, s24;
	s26 =	smul.u32 $0x19000, s5  }
0xb: {  	s1 =	sadd.s32 $0x801400, s1;
	s7 =	ssub.s32 $0x2, s5;
	s6 =	smul.u32 $0x1900, s4  }
0xc: {  	_ =	strace $0x80000047;
	s8 =	smul.u32 $0x19000, s4;
	s25 =	sshrl.u32 s7, $0x1  }
0xd: {  	s24 =	simm.s32 $0x13900;
	s7 =	ssub.s32 s7, s25;
	s25 =	simm.s32 $0x2  }
0xe: {  	s6 =	sshrl.u32 s6, $0x3;
	s5 =	smax.u32 s7, $0x1;
	s28 =	sadd.s32 s1, s8  }
0xf: {  	s1 =	sadd.s32 s9, s1;
	s9 =	simm.s32 $0x4;
	s4 =	sadd.s32 s0, s6  }
0x10: {  	s6 =	sadd.s32 $0x16800, s28;
	s7 =	sadd.s32 $0x17C00, s28;
	s15 =	sadd.s32 s26, s1  }
0x11: {  	s26 =	simm.s32 $0x3;
	s0 =	simm.s32 $0x18C0;
	s1 =	simm.s32 $0x0  }
.LBB2_1:
0x12: {  	[tilespmem:s2], [sflag:$0x4] =	stream.linear.gather [hbm4b:s4+s2], $0x1900, $0x38;
	[tilespmem:$0x15900] =	vst v63  }
0x13: {  	_ =	swait.ge [sflag:s9], $0x1900  }
0x14: {  	[sflag:s9] =	ssyncset.done $0x0  }
0x15: {  	[sflag:s9] =	ssyncadd.s32 $0xFFFFE700  }
0x16: {  	[tilespmem:s11], [sflag:$0x1] =	stream.indirect.gather [hbm4b:s3+s10], $0x80, s2, s10, $0xb8;
	[tilespmem:$0x15900] =	vst v63  }
0x17: {  	_ = 	snop  }
0x18: {  	[tilespmem:s12], [sflag:$0x1] =	stream.indirect.gather [hbm4b:s3+s10], $0x80, s10, s10, $0xb8;
	[tilespmem:$0x15900] =	vst v63  }
0x19: {  	s8 =	simm.s32 $0x80  }
0x1a: {  	[tilespmem:s14], [sflag:$0x1] =	stream.indirect.gather [hbm4b:s3+s10], $0x80, s8, s10, $0xb8;
	[tilespmem:$0x15900] =	vst v63  }
0x1b: {  	s28 =	simm.s32 $0xC0  }
0x1c: {  	[tilespmem:s16], [sflag:$0x1] =	stream.indirect.gather [hbm4b:s3+s10], $0x80, s28, s10, $0xb8;
	[tilespmem:$0x15900] =	vst v63  }
0x1d: {  	s13 =	simm.s32 $0x100  }
0x1e: {  	[tilespmem:s18], [sflag:$0x1] =	stream.indirect.gather [hbm4b:s3+s10], $0x80, s13, s10, $0xb8;
	[tilespmem:$0x15900] =	vst v63  }
0x1f: {  	_ =	swait.ge [sflag:s19], $0x2000  }
0x20: {  	[sflag:s19] =	ssyncset.done $0x0  }
0x21: {  	[sflag:s19] =	ssyncadd.s32 $0xFFFFE000  }
0x22: {  	_ =	swait.ge [sflag:s19], $0x2000  }
0x23: {  	[sflag:s19] =	ssyncset.done $0x0  }
0x24: {  	[sflag:s19] =	ssyncadd.s32 $0xFFFFE000  }
0x25: {  	_ =	swait.ge [sflag:s19], $0x2000  }
0x26: {  	[sflag:s19] =	ssyncset.done $0x0  }
0x27: {  	[sflag:s19] =	ssyncadd.s32 $0xFFFFE000  }
0x28: {  	_ =	swait.ge [sflag:s19], $0x2000  }
0x29: {  	[sflag:s19] =	ssyncset.done $0x0  }
0x2a: {  	[sflag:s19] =	ssyncadd.s32 $0xFFFFE000  }
0x2b: {  	_ =	swait.ge [sflag:s19], $0x2000  }
0x2c: {  	[sflag:s19] =	ssyncset.done $0x0  }
0x2d: {  	s17 =	simm.s32 $0x140;
	[sflag:s19] =	ssyncadd.s32 $0xFFFFE000  }
0x2e: {  	[tilespmem:s20], [sflag:$0x2] =	stream.indirect.gather [hbm4b:s3+s10], $0x80, s17, s10, $0xb8;
	[tilespmem:$0x15900] =	vst v63  }
0x2f: {  	s28 =	simm.s32 $0x180  }
0x30: {  	[tilespmem:s21], [sflag:$0x2] =	stream.indirect.gather [hbm4b:s3+s10], $0x80, s28, s10, $0xb8;
	[tilespmem:$0x15900] =	vst v63  }
0x31: {  	s13 =	simm.s32 $0x1C0  }
0x32: {  	[tilespmem:s22], [sflag:$0x2] =	stream.indirect.gather [hbm4b:s3+s10], $0x80, s13, s10, $0xb8;
	[tilespmem:$0x15900] =	vst v63  }
0x33: {  	s17 =	simm.s32 $0x200  }
0x34: {  	[tilespmem:s23], [sflag:$0x2] =	stream.indirect.gather [hbm4b:s3+s10], $0x80, s17, s10, $0xb8;
	[tilespmem:$0x15900] =	vst v63  }
0x35: {  	s28 =	simm.s32 $0x240  }
0x36: {  	[tilespmem:s24], [sflag:$0x2] =	stream.indirect.gather [hbm4b:s3+s10], $0x80, s28, s10, $0xb8;
	[tilespmem:$0x15900] =	vst v63  }
0x37: {  	_ = 	snop  }
0x38: {  	[hbm4b:s15+s2] =	stream.linear.scatter [tilespmem:s11], [sflag:$0x3], $0xA000, $0x38;
	[tilespmem:$0x15900] =	vst v63  }
0x39: {  	_ =	swait.ge [sflag:s25], $0x2000  }
0x3a: {  	[sflag:s25] =	ssyncset.done $0x0  }
0x3b: {  	[sflag:s25] =	ssyncadd.s32 $0xFFFFE000  }
0x3c: {  	_ =	swait.ge [sflag:s25], $0x2000  }
0x3d: {  	[sflag:s25] =	ssyncset.done $0x0  }
0x3e: {  	[sflag:s25] =	ssyncadd.s32 $0xFFFFE000  }
0x3f: {  	_ =	swait.ge [sflag:s25], $0x2000  }
0x40: {  	[sflag:s25] =	ssyncset.done $0x0  }
0x41: {  	[sflag:s25] =	ssyncadd.s32 $0xFFFFE000  }
0x42: {  	_ =	swait.ge [sflag:s25], $0x2000  }
0x43: {  	[sflag:s25] =	ssyncset.done $0x0  }
0x44: {  	[sflag:s25] =	ssyncadd.s32 $0xFFFFE000  }
0x45: {  	_ =	swait.ge [sflag:s25], $0x2000  }
0x46: {  	[sflag:s25] =	ssyncset.done $0x0  }
0x47: {  	[sflag:s25] =	ssyncadd.s32 $0xFFFFE000  }
0x48: {  	_ =	swait.ge [sflag:s26], $0xA000  }
0x49: {  	[sflag:s26] =	ssyncset.done $0x0  }
0x4a: {  	s13 =	simm.s32 $0x280;
	[sflag:s26] =	ssyncadd.s32 $0xFFFF6000  }
0x4b: {  	[tilespmem:s11], [sflag:$0x1] =	stream.indirect.gather [hbm4b:s3+s10], $0x80, s13, s10, $0xb8;
	[tilespmem:$0x15900] =	vst v63  }
0x4c: {  	s17 =	simm.s32 $0x2C0  }
0x4d: {  	[tilespmem:s12], [sflag:$0x1] =	stream.indirect.gather [hbm4b:s3+s10], $0x80, s17, s10, $0xb8;
	[tilespmem:$0x15900] =	vst v63  }
0x4e: {  	s28 =	simm.s32 $0x300  }
0x4f: {  	[tilespmem:s14], [sflag:$0x1] =	stream.indirect.gather [hbm4b:s3+s10], $0x80, s28, s10, $0xb8;
	[tilespmem:$0x15900] =	vst v63  }
0x50: {  	s13 =	simm.s32 $0x340  }
0x51: {  	[tilespmem:s16], [sflag:$0x1] =	stream.indirect.gather [hbm4b:s3+s10], $0x80, s13, s10, $0xb8;
	[tilespmem:$0x15900] =	vst v63  }
0x52: {  	s17 =	simm.s32 $0x380  }
0x53: {  	[tilespmem:s18], [sflag:$0x1] =	stream.indirect.gather [hbm4b:s3+s10], $0x80, s17, s10, $0xb8;
	[tilespmem:$0x15900] =	vst v63  }
0x54: {  	s28 =	sadd.s32 $0x1400, s15  }
0x55: {  	[hbm4b:s28+s2] =	stream.linear.scatter [tilespmem:s20], [sflag:$0x3], $0xA000, $0x38;
	[tilespmem:$0x15900] =	vst v63  }
0x56: {  	_ =	swait.ge [sflag:s26], $0xA000  }
0x57: {  	s8 =	smov.u32 s15;
	s13 =	simm.s32 $0xA00;
	[sflag:s26] =	ssyncset.done $0x0  }
.LBB2_2:
0x58: {  	p0 =	sne.s32 s13, $0x5000;
	[sflag:s26] =	ssyncadd.s32 $0xFFFF6000;
	s8 =	sadd.s32 $0x2800, s8  }
0x59: {  	s17 =	smov.u32 s13;
	s13 =	sadd.s32 $0xA00, s13  }
0x5a: {  	_ =	swait.ge [sflag:s19], $0x2000  }
0x5b: {  	[sflag:s19] =	ssyncset.done $0x0  }
0x5c: {  	[sflag:s19] =	ssyncadd.s32 $0xFFFFE000  }
0x5d: {  	_ =	swait.ge [sflag:s19], $0x2000  }
0x5e: {  	[sflag:s19] =	ssyncset.done $0x0  }
0x5f: {  	[sflag:s19] =	ssyncadd.s32 $0xFFFFE000  }
0x60: {  	_ =	swait.ge [sflag:s19], $0x2000  }
0x61: {  	[sflag:s19] =	ssyncset.done $0x0  }
0x62: {  	[sflag:s19] =	ssyncadd.s32 $0xFFFFE000  }
0x63: {  	_ =	swait.ge [sflag:s19], $0x2000  }
0x64: {  	[sflag:s19] =	ssyncset.done $0x0  }
0x65: {  	[sflag:s19] =	ssyncadd.s32 $0xFFFFE000  }
0x66: {  	_ =	swait.ge [sflag:s19], $0x2000  }
0x67: {  	s17 =	sshra.s32 s17, $0x2;
	[sflag:s19] =	ssyncset.done $0x0  }
0x68: {  	s28 =	sadd.s32 $0x140, s17;
	[sflag:s19] =	ssyncadd.s32 $0xFFFFE000  }
0x69: {  	[tilespmem:s20], [sflag:$0x2] =	stream.indirect.gather [hbm4b:s3+s10], $0x80, s28, s10, $0xb8;
	[tilespmem:$0x15900] =	vst v63  }
0x6a: {  	s28 =	sadd.s32 $0x180, s17  }
0x6b: {  	[tilespmem:s21], [sflag:$0x2] =	stream.indirect.gather [hbm4b:s3+s10], $0x80, s28, s10, $0xb8;
	[tilespmem:$0x15900] =	vst v63  }
0x6c: {  	s28 =	sadd.s32 $0x1C0, s17  }
0x6d: {  	[tilespmem:s22], [sflag:$0x2] =	stream.indirect.gather [hbm4b:s3+s10], $0x80, s28, s10, $0xb8;
	[tilespmem:$0x15900] =	vst v63  }
0x6e: {  	s28 =	sadd.s32 $0x200, s17  }
0x6f: {  	[tilespmem:s23], [sflag:$0x2] =	stream.indirect.gather [hbm4b:s3+s10], $0x80, s28, s10, $0xb8;
	[tilespmem:$0x15900] =	vst v63  }
0x70: {  	s28 =	sadd.s32 $0x240, s17  }
0x71: {  	[tilespmem:s24], [sflag:$0x2] =	stream.indirect.gather [hbm4b:s3+s10], $0x80, s28, s10, $0xb8;
	[tilespmem:$0x15900] =	vst v63  }
0x72: {  	_ = 	snop  }
0x73: {  	[hbm4b:s8+s2] =	stream.linear.scatter [tilespmem:s11], [sflag:$0x3], $0xA000, $0x38;
	[tilespmem:$0x15900] =	vst v63  }
0x74: {  	_ =	swait.ge [sflag:s25], $0x2000  }
0x75: {  	[sflag:s25] =	ssyncset.done $0x0  }
0x76: {  	[sflag:s25] =	ssyncadd.s32 $0xFFFFE000  }
0x77: {  	_ =	swait.ge [sflag:s25], $0x2000  }
0x78: {  	[sflag:s25] =	ssyncset.done $0x0  }
0x79: {  	[sflag:s25] =	ssyncadd.s32 $0xFFFFE000  }
0x7a: {  	_ =	swait.ge [sflag:s25], $0x2000  }
0x7b: {  	[sflag:s25] =	ssyncset.done $0x0  }
0x7c: {  	[sflag:s25] =	ssyncadd.s32 $0xFFFFE000  }
0x7d: {  	_ =	swait.ge [sflag:s25], $0x2000  }
0x7e: {  	[sflag:s25] =	ssyncset.done $0x0  }
0x7f: {  	[sflag:s25] =	ssyncadd.s32 $0xFFFFE000  }
0x80: {  	_ =	swait.ge [sflag:s25], $0x2000  }
0x81: {  	[sflag:s25] =	ssyncset.done $0x0  }
0x82: {  	[sflag:s25] =	ssyncadd.s32 $0xFFFFE000  }
0x83: {  	_ =	swait.ge [sflag:s26], $0xA000  }
0x84: {  	[sflag:s26] =	ssyncset.done $0x0  }
0x85: {  	s28 =	sadd.s32 $0x280, s17;
	[sflag:s26] =	ssyncadd.s32 $0xFFFF6000  }
0x86: {  	[tilespmem:s11], [sflag:$0x1] =	stream.indirect.gather [hbm4b:s3+s10], $0x80, s28, s10, $0xb8;
	[tilespmem:$0x15900] =	vst v63  }
0x87: {  	s28 =	sadd.s32 $0x2C0, s17  }
0x88: {  	[tilespmem:s12], [sflag:$0x1] =	stream.indirect.gather [hbm4b:s3+s10], $0x80, s28, s10, $0xb8;
	[tilespmem:$0x15900] =	vst v63  }
0x89: {  	s28 =	sadd.s32 $0x300, s17  }
0x8a: {  	[tilespmem:s14], [sflag:$0x1] =	stream.indirect.gather [hbm4b:s3+s10], $0x80, s28, s10, $0xb8;
	[tilespmem:$0x15900] =	vst v63  }
0x8b: {  	s28 =	sadd.s32 $0x340, s17  }
0x8c: {  	[tilespmem:s16], [sflag:$0x1] =	stream.indirect.gather [hbm4b:s3+s10], $0x80, s28, s10, $0xb8;
	[tilespmem:$0x15900] =	vst v63  }
0x8d: {  	s17 =	sadd.s32 $0x380, s17  }
0x8e: {  	[tilespmem:s18], [sflag:$0x1] =	stream.indirect.gather [hbm4b:s3+s10], $0x80, s17, s10, $0xb8;
	[tilespmem:$0x15900] =	vst v63  }
.Ltmp0:
0x8f: {  	_ = 	snop;
	(pc) =	sbr.rel @p0 .LBB2_2-.Ltmp0, $4  }
0x90: {  	s17 =	sadd.s32 $0x1400, s8  }
0x91: {  	[hbm4b:s17+s2] =	stream.linear.scatter [tilespmem:s20], [sflag:$0x3], $0xA000, $0x38;
	[tilespmem:$0x15900] =	vst v63  }
0x92: {  	_ =	swait.ge [sflag:s26], $0xA000  }
0x93: {  	[sflag:s26] =	ssyncset.done $0x0  }
0x94: {  	[sflag:s26] =	ssyncadd.s32 $0xFFFF6000  }
0x95: {  	_ =	swait.ge [sflag:s19], $0x2000  }
0x96: {  	[sflag:s19] =	ssyncset.done $0x0  }
0x97: {  	[sflag:s19] =	ssyncadd.s32 $0xFFFFE000  }
0x98: {  	_ =	swait.ge [sflag:s19], $0x2000  }
0x99: {  	[sflag:s19] =	ssyncset.done $0x0  }
0x9a: {  	[sflag:s19] =	ssyncadd.s32 $0xFFFFE000  }
0x9b: {  	_ =	swait.ge [sflag:s19], $0x2000  }
0x9c: {  	[sflag:s19] =	ssyncset.done $0x0  }
0x9d: {  	[sflag:s19] =	ssyncadd.s32 $0xFFFFE000  }
0x9e: {  	_ =	swait.ge [sflag:s19], $0x2000  }
0x9f: {  	[sflag:s19] =	ssyncset.done $0x0  }
0xa0: {  	[sflag:s19] =	ssyncadd.s32 $0xFFFFE000  }
0xa1: {  	_ =	swait.ge [sflag:s19], $0x2000  }
0xa2: {  	[sflag:s19] =	ssyncset.done $0x0  }
0xa3: {  	s8 =	simm.s32 $0x17C0;
	[sflag:s19] =	ssyncadd.s32 $0xFFFFE000  }
0xa4: {  	[tilespmem:s20], [sflag:$0x2] =	stream.indirect.gather [hbm4b:s3+s10], $0x80, s8, s10, $0xb8;
	[tilespmem:$0x15900] =	vst v63  }
0xa5: {  	_ = 	snop  }
0xa6: {  	[tilespmem:s21], [sflag:$0x2] =	stream.indirect.gather [hbm4b:s3+s10], $0x80, s29, s10, $0xb8;
	[tilespmem:$0x15900] =	vst v63  }
0xa7: {  	_ = 	snop  }
0xa8: {  	[tilespmem:s22], [sflag:$0x2] =	stream.indirect.gather [hbm4b:s3+s10], $0x80, s30, s10, $0xb8;
	[tilespmem:$0x15900] =	vst v63  }
0xa9: {  	_ = 	snop  }
0xaa: {  	[tilespmem:s23], [sflag:$0x2] =	stream.indirect.gather [hbm4b:s3+s10], $0x80, s31, s10, $0xb8;
	[tilespmem:$0x15900] =	vst v63  }
0xab: {  	_ = 	snop  }
0xac: {  	[tilespmem:s24], [sflag:$0x2] =	stream.indirect.gather [hbm4b:s3+s10], $0x80, s0, s10, $0xb8;
	[tilespmem:$0x15900] =	vst v63  }
0xad: {  	_ = 	snop  }
0xae: {  	[hbm4b:s6+s2] =	stream.linear.scatter [tilespmem:s11], [sflag:$0x3], $0xA000, $0x38;
	[tilespmem:$0x15900] =	vst v63  }
0xaf: {  	_ =	swait.ge [sflag:s25], $0x2000  }
0xb0: {  	[sflag:s25] =	ssyncset.done $0x0  }
0xb1: {  	[sflag:s25] =	ssyncadd.s32 $0xFFFFE000  }
0xb2: {  	_ =	swait.ge [sflag:s25], $0x2000  }
0xb3: {  	[sflag:s25] =	ssyncset.done $0x0  }
0xb4: {  	[sflag:s25] =	ssyncadd.s32 $0xFFFFE000  }
0xb5: {  	_ =	swait.ge [sflag:s25], $0x2000  }
0xb6: {  	[sflag:s25] =	ssyncset.done $0x0  }
0xb7: {  	[sflag:s25] =	ssyncadd.s32 $0xFFFFE000  }
0xb8: {  	_ =	swait.ge [sflag:s25], $0x2000  }
0xb9: {  	[sflag:s25] =	ssyncset.done $0x0  }
0xba: {  	[sflag:s25] =	ssyncadd.s32 $0xFFFFE000  }
0xbb: {  	_ =	swait.ge [sflag:s25], $0x2000  }
0xbc: {  	[sflag:s25] =	ssyncset.done $0x0  }
0xbd: {  	[sflag:s25] =	ssyncadd.s32 $0xFFFFE000  }
0xbe: {  	s1 =	sadd.s32 $0x1, s1;
	_ =	swait.ge [sflag:s26], $0xA000  }
0xbf: {  	p0 =	sne.s32 s1, s5;
	[sflag:s26] =	ssyncset.done $0x0  }
.Ltmp1:
0xc0: {  	[sflag:s26] =	ssyncadd.s32 $0xFFFF6000;
	(pc) =	sbr.rel @p0 .LBB2_1-.Ltmp1, $4  }
0xc1: {  	[hbm4b:s7+s2] =	stream.linear.scatter [tilespmem:s20], [sflag:$0x3], $0xA000, $0x38;
	[tilespmem:$0x15900] =	vst v63  }
0xc2: {  	_ =	swait.ge [sflag:s26], $0xA000  }
0xc3: {  	[sflag:s26] =	ssyncset.done $0x0  }
0xc4: {  	[sflag:s26] =	ssyncadd.s32 $0xFFFF6000  }
0xc5: {  	_ =	sfence.sel $0x180000  }
0xc6: {  	[bflag:$0x0] =	sbarrier.arrive $0xFFFF  }
0xc7: {  	_ =	strace $0x90000047  }
0xc8: {  	s0 =	stileid.u32;
	[bflag:$0x2] =	sbarrier.arrive $0xFFFF  }
0xc9: {  	p0 =	sne.s32 s0, $0x0;
	s0 =	rddreg [dreg:$0x2]  }
0xca: {  	s0 =	sadd.s32 @!p0 $0x100000, s0  }
0xcb: {  	[sflag:s0] =	ssyncadd.tile.s32 @!p0 $0x1;
	_ =	shalt  }
.Lfunc_end2:
_tile_overlayer_lowered:
.L_overlay_start_2:
0xcc: {  	(tag) =	ssettag $0x2  }
0xcd: {  	s0 =	rddreg [dreg:$0x0];
	s2 =	stileid.u32  }
0xce: {  	s1 =	rddreg [dreg:$0x1];
	p0 =	sne.s32 s2, $0x0  }
0xcf: {  	s3 =	rddreg [dreg:$0x2];
	[bflag:$0x3] =	sbarrier.arrive $0xFFFF;
	s2 =	simm.s32 @!p0 $0x1C04  }
0xd0: {  	[timem:s3], [sflag:s2] =	dma.local @!p0 [hbm:s0], s1  }
0xd1: {  	s0 =	simm.s32 @!p0 $0x4  }
0xd2: {  	_ =	swait.ge @!p0 [sflag:s0], s1  }
0xd3: {  	s1 =	ssub.s32 @!p0 $0x0, s1;
	[sflag:s0] =	ssyncset.done @!p0 $0x0  }
0xd4: {  	[sflag:s0] =	ssyncadd.s32 @!p0 s1  }
0xd5: {  	[bflag:$0x3] =	sbarrier.arrive $0xFFFF  }
0xd6: {  	_ =	shalt  }

</sc_bundles>
